<compile_context>
chip_gen: v7x
topology: tpu7x:2x2x1
jax: 0.10.2.dev20260603
libtpu: 0.0.44.dev20260713+nightly
codegen_flags: <defaults>
</compile_context>

<pallas_src>
import functools

import jax
import jax.numpy as jnp
from jax import lax
from jax.experimental import pallas as pl
from jax.experimental.pallas import tpu as pltpu
from jax.experimental.pallas import tpu_sc as plsc

_EMB = 32
_BATCH = 16384
_HIST = 200
_B = _BATCH * _HIST
_NW = 32
_BPW = _B // _NW
_C = 512
_G = _BPW // _C
_NBUF = 4
_K = 2
_TG = _HIST // 4

_mesh = plsc.VectorSubcoreMesh(core_axis_name="c", subcore_axis_name="s")


@functools.partial(
    pl.kernel,
    mesh=_mesh,
    out_type=jax.ShapeDtypeStruct((_TG * _BATCH, 4 * _EMB), jnp.float32),
    scratch_types=[
        pltpu.VMEM((_NBUF * _C,), jnp.int32),
        pltpu.VMEM((_NBUF, _C, _EMB), jnp.float32),
    ] + [pltpu.SemaphoreType.DMA] * (3 * _NBUF),
    compiler_params=pltpu.CompilerParams(use_tc_tiling_on_sc=False),
)
def _gather_interleaved(idx_hbm, table_hbm, out_hbm, idx_v, rows_v, *sems):
    sem_g = sems[:_NBUF]
    sem_w = sems[_NBUF:2 * _NBUF]
    sem_i = sems[2 * _NBUF:]
    wid = lax.axis_index("s") * 2 + lax.axis_index("c")
    base = wid * _BPW

    def prefetch_idx(j, b):
        pltpu.async_copy(
            idx_hbm.at[pl.ds(base + j * _C, _C)],
            idx_v.at[pl.ds(b * _C, _C)], sem_i[b],
        )

    def fire_gather(j, b):
        pltpu.make_async_copy(
            idx_hbm.at[pl.ds(base + j * _C, _C)],
            idx_v.at[pl.ds(b * _C, _C)], sem_i[b],
        ).wait()
        pltpu.async_copy(table_hbm.at[idx_v.at[pl.ds(b * _C, _C)]], rows_v.at[b], sem_g[b])

    def wb_start(i, b):
        flat = base + i * _C
        t = flat // _BATCH
        row0 = (t // 4) * _BATCH + flat % _BATCH
        tl = t % 4
        for w in range(4):
            @pl.when(tl == w)
            def _():
                pltpu.async_copy(
                    rows_v.at[b],
                    out_hbm.at[pl.ds(row0, _C), pl.ds(w * _EMB, _EMB)],
                    sem_w[b],
                )

    def wb_drain(b):
        pltpu.make_async_copy(
            rows_v.at[b],
            out_hbm.at[pl.ds(0, _C), pl.ds(0, _EMB)], sem_w[b],
        ).wait()

    for j in range(_K + 1):
        prefetch_idx(j, j)
    for j in range(_K):
        fire_gather(j, j)

    def group(gg, carry):
        for phase in range(_NBUF):
            i = gg * _NBUF + phase
            bi = phase
            bj = (phase + _K) % _NBUF
            bp = (phase + _K + 1) % _NBUF
            j = i + _K

            @pl.when(i + _K + 1 < _G)
            def _():
                prefetch_idx(i + _K + 1, bp)

            @pl.when(j < _G)
            def _():
                @pl.when(j >= _NBUF)
                def _():
                    wb_drain(bj)

                fire_gather(j, bj)

            pltpu.make_async_copy(
                table_hbm.at[idx_v.at[pl.ds(bi * _C, _C)]], rows_v.at[bi], sem_g[bi]
            ).wait()
            wb_start(i, bi)
        return carry

    lax.fori_loop(0, _G // _NBUF, group, 0)

    for b in range(_NBUF):
        wb_drain(b)


def _transpose_body(x_ref, o_ref):
    xt = jnp.transpose(x_ref[0], (1, 0))
    o_ref[...] = xt.reshape(4, _EMB, _BATCH)


def _transpose_slabs(y):
    return pl.pallas_call(
        _transpose_body,
        grid=(_TG,),
        in_specs=[pl.BlockSpec((1, _BATCH, 4 * _EMB), lambda g: (g, 0, 0))],
        out_specs=pl.BlockSpec((4, _EMB, _BATCH), lambda g: (g, 0, 0)),
        out_shape=jax.ShapeDtypeStruct((_HIST, _EMB, _BATCH), jnp.float32),
    )(y)


def kernel(input, weight):
    idx = jnp.transpose(input).reshape(_B).astype(jnp.int32)
    z = _gather_interleaved(idx, weight)
    out3 = _transpose_slabs(z.reshape(_TG, _BATCH, 4 * _EMB))
    return out3.transpose(2, 0, 1)

# --- scband reference (transcript-rebuilt; emitter-appended) ---
"""Pipeline reference for scband-word-embedding-12421045420964 (READ-ONLY COPY).

The authoritative reference and input builder live on the scoring server;
editing this copy changes nothing except your own understanding.
"""

import jax, jax.numpy as jnp
import numpy as np

NUM_WORD = 1000000
EMB_DIM = 32
BATCH = 16384
HIST_LEN = 200

def setup_inputs(seed: int = 0) -> dict:
    key = jax.random.key(seed)
    k_idx, k_w = jax.random.split(key)
    input_ids = jax.random.randint(k_idx, (BATCH, HIST_LEN), 0, NUM_WORD, dtype=jnp.int64 if jax.config.read('jax_enable_x64') else jnp.int32)
    # xavier_uniform_ on embedding weight: bound = sqrt(6 / (fan_in + fan_out))
    bound = float(np.sqrt(6.0 / (NUM_WORD + EMB_DIM)))
    weight = jax.random.uniform(k_w, (NUM_WORD, EMB_DIM), minval=-bound, maxval=bound, dtype=jnp.float32)
    return {"input": input_ids, "weight": weight}

def reference(input, weight):
    # nn.Embedding forward: row gather from the embedding table
    return jnp.take(weight, input, axis=0)

if __name__ == "__main__":
    import jax
    _d = setup_inputs()
    print(jax.jit(kernel)(*tuple(_d.values())))

</pallas_src>

<mosaic_0001>
#map = affine_map<(d0, d1) -> (0)>
#map1 = affine_map<(d0, d1) -> (0, 0)>
module attributes {stable_mosaic.version = 14 : i64} {
  func.func @_gather_interleaved(%arg0: i32, %arg1: i32, %arg2: memref<3276800xi32, #tpu.memory_space<hbm>>, %arg3: memref<1000000x32xf32, #tpu.memory_space<hbm>>, %arg4: memref<819200x128xf32, #tpu.memory_space<hbm>>, %arg5: memref<2048xi32, #tpu.memory_space<vmem>>, %arg6: memref<4x512x32xf32, #tpu.memory_space<vmem>>, %arg7: memref<!tpu.dma_semaphore, #tpu.memory_space<semaphore_mem>>, %arg8: memref<!tpu.dma_semaphore, #tpu.memory_space<semaphore_mem>>, %arg9: memref<!tpu.dma_semaphore, #tpu.memory_space<semaphore_mem>>, %arg10: memref<!tpu.dma_semaphore, #tpu.memory_space<semaphore_mem>>, %arg11: memref<!tpu.dma_semaphore, #tpu.memory_space<semaphore_mem>>, %arg12: memref<!tpu.dma_semaphore, #tpu.memory_space<semaphore_mem>>, %arg13: memref<!tpu.dma_semaphore, #tpu.memory_space<semaphore_mem>>, %arg14: memref<!tpu.dma_semaphore, #tpu.memory_space<semaphore_mem>>, %arg15: memref<!tpu.dma_semaphore, #tpu.memory_space<semaphore_mem>>, %arg16: memref<!tpu.dma_semaphore, #tpu.memory_space<semaphore_mem>>, %arg17: memref<!tpu.dma_semaphore, #tpu.memory_space<semaphore_mem>>, %arg18: memref<!tpu.dma_semaphore, #tpu.memory_space<semaphore_mem>>) attributes {dimension_semantics = [#tpu.dimension_semantics<core_parallel>, #tpu.dimension_semantics<subcore_parallel>], iteration_bounds = array<i64: 2, 16>, scalar_prefetch = 0 : i64, scratch_operands = 14 : i64, tpu.core_type = #tpu.core_type<sc_vector_subcore>, window_params = [{transform_indices = #map}, {transform_indices = #map1}, {transform_indices = #map1}]} {
    %mul3A = arith.constant 2 : i32
    %mul3A_0 = arith.muli %arg1, %mul3A : i32
    %add3A = arith.addi %mul3A_0, %arg0 : i32
    %mul3A_1 = arith.constant 102400 : i32
    %mul3A_2 = arith.muli %add3A, %mul3A_1 : i32
    %add3A_3 = arith.constant 0 : i32
    %add3A_4 = arith.addi %mul3A_2, %add3A_3 : i32
    %dma_start3A = arith.constant 0 : i32
    %dma_start3A_5 = tpu.memref_slice %arg5[%dma_start3A] : memref<2048xi32, #tpu.memory_space<vmem>> -> memref<512xi32, #tpu.memory_space<vmem>>
    %dma_start3A_6 = tpu.memref_slice %arg2[%add3A_4] : memref<3276800xi32, #tpu.memory_space<hbm>> -> memref<512xi32, #tpu.memory_space<hbm>>
    %dma_start3A_7 = arith.constant 0 : i32
    %dma_start3A_8 = tpu.memref_slice %arg5[%dma_start3A_7] : memref<2048xi32, #tpu.memory_space<vmem>> -> memref<512xi32, #tpu.memory_space<vmem>>
    %dma_start3A_9 = tpu.memref_slice %arg2[%add3A_4] : memref<3276800xi32, #tpu.memory_space<hbm>> -> memref<512xi32, #tpu.memory_space<hbm>>
    tpu.enqueue_dma source(%dma_start3A_9 : memref<512xi32, #tpu.memory_space<hbm>>) target(%dma_start3A_8 : memref<512xi32, #tpu.memory_space<vmem>>) target_semaphore(%arg15 : memref<!tpu.dma_semaphore, #tpu.memory_space<semaphore_mem>>)
    %add3A_10 = arith.constant 512 : i32
    %add3A_11 = arith.addi %mul3A_2, %add3A_10 : i32
    %dma_start3A_12 = arith.constant 512 : i32
    %dma_start3A_13 = tpu.memref_slice %arg5[%dma_start3A_12] : memref<2048xi32, #tpu.memory_space<vmem>> -> memref<512xi32, #tpu.memory_space<vmem>>
    %dma_start3A_14 = tpu.memref_slice %arg2[%add3A_11] : memref<3276800xi32, #tpu.memory_space<hbm>> -> memref<512xi32, #tpu.memory_space<hbm>>
    %dma_start3A_15 = arith.constant 512 : i32
    %dma_start3A_16 = tpu.memref_slice %arg5[%dma_start3A_15] : memref<2048xi32, #tpu.memory_space<vmem>> -> memref<512xi32, #tpu.memory_space<vmem>>
    %dma_start3A_17 = tpu.memref_slice %arg2[%add3A_11] : memref<3276800xi32, #tpu.memory_space<hbm>> -> memref<512xi32, #tpu.memory_space<hbm>>
    tpu.enqueue_dma source(%dma_start3A_17 : memref<512xi32, #tpu.memory_space<hbm>>) target(%dma_start3A_16 : memref<512xi32, #tpu.memory_space<vmem>>) target_semaphore(%arg16 : memref<!tpu.dma_semaphore, #tpu.memory_space<semaphore_mem>>)
    %add3A_18 = arith.constant 1024 : i32
    %add3A_19 = arith.addi %mul3A_2, %add3A_18 : i32
    %dma_start3A_20 = arith.constant 1024 : i32
    %dma_start3A_21 = tpu.memref_slice %arg5[%dma_start3A_20] : memref<2048xi32, #tpu.memory_space<vmem>> -> memref<512xi32, #tpu.memory_space<vmem>>
    %dma_start3A_22 = tpu.memref_slice %arg2[%add3A_19] : memref<3276800xi32, #tpu.memory_space<hbm>> -> memref<512xi32, #tpu.memory_space<hbm>>
    %dma_start3A_23 = arith.constant 1024 : i32
    %dma_start3A_24 = tpu.memref_slice %arg5[%dma_start3A_23] : memref<2048xi32, #tpu.memory_space<vmem>> -> memref<512xi32, #tpu.memory_space<vmem>>
    %dma_start3A_25 = tpu.memref_slice %arg2[%add3A_19] : memref<3276800xi32, #tpu.memory_space<hbm>> -> memref<512xi32, #tpu.memory_space<hbm>>
    tpu.enqueue_dma source(%dma_start3A_25 : memref<512xi32, #tpu.memory_space<hbm>>) target(%dma_start3A_24 : memref<512xi32, #tpu.memory_space<vmem>>) target_semaphore(%arg17 : memref<!tpu.dma_semaphore, #tpu.memory_space<semaphore_mem>>)
    %add3A_26 = arith.constant 0 : i32
    %add3A_27 = arith.addi %mul3A_2, %add3A_26 : i32
    %dma_wait3A = arith.constant 0 : i32
    %dma_wait3A_28 = tpu.memref_slice %arg5[%dma_wait3A] : memref<2048xi32, #tpu.memory_space<vmem>> -> memref<512xi32, #tpu.memory_space<vmem>>
    %dma_wait3A_29 = tpu.memref_slice %arg2[%add3A_27] : memref<3276800xi32, #tpu.memory_space<hbm>> -> memref<512xi32, #tpu.memory_space<hbm>>
    %dma_wait3A_30 = arith.constant 0 : i32
    %dma_wait3A_31 = tpu.memref_slice %arg5[%dma_wait3A_30] : memref<2048xi32, #tpu.memory_space<vmem>> -> memref<512xi32, #tpu.memory_space<vmem>>
    %dma_wait3A_32 = tpu.memref_slice %arg2[%add3A_27] : memref<3276800xi32, #tpu.memory_space<hbm>> -> memref<512xi32, #tpu.memory_space<hbm>>
    tpu.wait_dma2 semaphore(%arg15 : memref<!tpu.dma_semaphore, #tpu.memory_space<semaphore_mem>>) src(%dma_wait3A_32 : memref<512xi32, #tpu.memory_space<hbm>>) dst(%dma_wait3A_31 : memref<512xi32, #tpu.memory_space<vmem>>)
    %dma_start3A_33 = arith.constant 0 : i32
    %dma_start3A_34 = arith.constant 0 : i32
    %dma_start3A_35 = arith.constant 0 : i32
    %dma_start3A_36 = tpu.memref_slice %arg6[%dma_start3A_33, %dma_start3A_34, %dma_start3A_35] : memref<4x512x32xf32, #tpu.memory_space<vmem>> -> memref<1x512x32xf32, #tpu.memory_space<vmem>>
    %dma_start3A_37 = tpu.memref_squeeze %dma_start3A_36 : memref<1x512x32xf32, #tpu.memory_space<vmem>> -> memref<512x32xf32, #tpu.memory_space<vmem>>
    %dma_start3A_38 = arith.constant 0 : i32
    %dma_start3A_39 = tpu.memref_slice %arg5[%dma_start3A_38] : memref<2048xi32, #tpu.memory_space<vmem>> -> memref<512xi32, #tpu.memory_space<vmem>>
    %dma_start3A_40 = arith.constant 0 : i32
    %dma_start3A_41 = arith.constant 0 : i32
    %dma_start3A_42 = tpu.memref_slice %arg3[%dma_start3A_40, %dma_start3A_41] : memref<1000000x32xf32, #tpu.memory_space<hbm>> -> memref<1000000x32xf32, #tpu.memory_space<hbm>>
    tpu.enqueue_indirect_dma source(%dma_start3A_42 : memref<1000000x32xf32, #tpu.memory_space<hbm>>) target(%dma_start3A_37 : memref<512x32xf32, #tpu.memory_space<vmem>>) offsets(%dma_start3A_39 : memref<512xi32, #tpu.memory_space<vmem>>) semaphore(%arg7 : memref<!tpu.dma_semaphore, #tpu.memory_space<semaphore_mem>>)
    %add3A_43 = arith.constant 512 : i32
    %add3A_44 = arith.addi %mul3A_2, %add3A_43 : i32
    %dma_wait3A_45 = arith.constant 512 : i32
    %dma_wait3A_46 = tpu.memref_slice %arg5[%dma_wait3A_45] : memref<2048xi32, #tpu.memory_space<vmem>> -> memref<512xi32, #tpu.memory_space<vmem>>
    %dma_wait3A_47 = tpu.memref_slice %arg2[%add3A_44] : memref<3276800xi32, #tpu.memory_space<hbm>> -> memref<512xi32, #tpu.memory_space<hbm>>
    %dma_wait3A_48 = arith.constant 512 : i32
    %dma_wait3A_49 = tpu.memref_slice %arg5[%dma_wait3A_48] : memref<2048xi32, #tpu.memory_space<vmem>> -> memref<512xi32, #tpu.memory_space<vmem>>
    %dma_wait3A_50 = tpu.memref_slice %arg2[%add3A_44] : memref<3276800xi32, #tpu.memory_space<hbm>> -> memref<512xi32, #tpu.memory_space<hbm>>
    tpu.wait_dma2 semaphore(%arg16 : memref<!tpu.dma_semaphore, #tpu.memory_space<semaphore_mem>>) src(%dma_wait3A_50 : memref<512xi32, #tpu.memory_space<hbm>>) dst(%dma_wait3A_49 : memref<512xi32, #tpu.memory_space<vmem>>)
    %dma_start3A_51 = arith.constant 1 : i32
    %dma_start3A_52 = arith.constant 0 : i32
    %dma_start3A_53 = arith.constant 0 : i32
    %dma_start3A_54 = tpu.memref_slice %arg6[%dma_start3A_51, %dma_start3A_52, %dma_start3A_53] : memref<4x512x32xf32, #tpu.memory_space<vmem>> -> memref<1x512x32xf32, #tpu.memory_space<vmem>>
    %dma_start3A_55 = tpu.memref_squeeze %dma_start3A_54 : memref<1x512x32xf32, #tpu.memory_space<vmem>> -> memref<512x32xf32, #tpu.memory_space<vmem>>
    %dma_start3A_56 = arith.constant 512 : i32
    %dma_start3A_57 = tpu.memref_slice %arg5[%dma_start3A_56] : memref<2048xi32, #tpu.memory_space<vmem>> -> memref<512xi32, #tpu.memory_space<vmem>>
    %dma_start3A_58 = arith.constant 0 : i32
    %dma_start3A_59 = arith.constant 0 : i32
    %dma_start3A_60 = tpu.memref_slice %arg3[%dma_start3A_58, %dma_start3A_59] : memref<1000000x32xf32, #tpu.memory_space<hbm>> -> memref<1000000x32xf32, #tpu.memory_space<hbm>>
    tpu.enqueue_indirect_dma source(%dma_start3A_60 : memref<1000000x32xf32, #tpu.memory_space<hbm>>) target(%dma_start3A_55 : memref<512x32xf32, #tpu.memory_space<vmem>>) offsets(%dma_start3A_57 : memref<512xi32, #tpu.memory_space<vmem>>) semaphore(%arg8 : memref<!tpu.dma_semaphore, #tpu.memory_space<semaphore_mem>>)
    %scan3A = arith.constant 0 : i32
    %scan3A_61 = arith.constant 0 : i32
    %scan3A_62 = arith.constant 50 : i32
    %scan3A_63 = arith.addi %scan3A_61, %scan3A_62 : i32
    %scan3A_64 = arith.constant 1 : i32
    scf.for %scan3A_126 = %scan3A_61 to %scan3A_63 step %scan3A_64  : i32 {
      %mul3A_127 = arith.constant 4 : i32
      %mul3A_128 = arith.muli %scan3A_126, %mul3A_127 : i32
      %add3A_129 = arith.constant 0 : i32
      %add3A_130 = arith.addi %mul3A_128, %add3A_129 : i32
      %add3A_131 = arith.constant 2 : i32
      %add3A_132 = arith.addi %add3A_130, %add3A_131 : i32
      %add3A_133 = arith.constant 2 : i32
      %add3A_134 = arith.addi %add3A_130, %add3A_133 : i32
      %add3A_135 = arith.constant 1 : i32
      %add3A_136 = arith.addi %add3A_134, %add3A_135 : i32
      %lt3A = arith.constant 200 : i32
      %lt3A_137 = arith.cmpi slt, %add3A_136, %lt3A : i32
      %convert_element_type3A = arith.extui %lt3A_137 : i1 to i32
      %cond3A = arith.constant 0 : i32
      %cond3A_138 = arith.cmpi ne, %convert_element_type3A, %cond3A : i32
      scf.if %cond3A_138 {
        %add3A_659 = arith.constant 2 : i32
        %add3A_660 = arith.addi %add3A_130, %add3A_659 : i32
        %add3A_661 = arith.constant 1 : i32
        %add3A_662 = arith.addi %add3A_660, %add3A_661 : i32
        %mul3A_663 = arith.constant 512 : i32
        %mul3A_664 = arith.muli %add3A_662, %mul3A_663 : i32
        %add3A_665 = arith.addi %mul3A_2, %mul3A_664 : i32
        %dma_start3A_666 = arith.constant 1536 : i32
        %dma_start3A_667 = tpu.memref_slice %arg5[%dma_start3A_666] : memref<2048xi32, #tpu.memory_space<vmem>> -> memref<512xi32, #tpu.memory_space<vmem>>
        %dma_start3A_668 = tpu.memref_slice %arg2[%add3A_665] : memref<3276800xi32, #tpu.memory_space<hbm>> -> memref<512xi32, #tpu.memory_space<hbm>>
        %dma_start3A_669 = arith.constant 1536 : i32
        %dma_start3A_670 = tpu.memref_slice %arg5[%dma_start3A_669] : memref<2048xi32, #tpu.memory_space<vmem>> -> memref<512xi32, #tpu.memory_space<vmem>>
        %dma_start3A_671 = tpu.memref_slice %arg2[%add3A_665] : memref<3276800xi32, #tpu.memory_space<hbm>> -> memref<512xi32, #tpu.memory_space<hbm>>
        tpu.enqueue_dma source(%dma_start3A_671 : memref<512xi32, #tpu.memory_space<hbm>>) target(%dma_start3A_670 : memref<512xi32, #tpu.memory_space<vmem>>) target_semaphore(%arg18 : memref<!tpu.dma_semaphore, #tpu.memory_space<semaphore_mem>>)
      } else {
      }
      %lt3A_139 = arith.constant 200 : i32
      %lt3A_140 = arith.cmpi slt, %add3A_132, %lt3A_139 : i32
      %convert_element_type3A_141 = arith.extui %lt3A_140 : i1 to i32
      %cond3A_142 = arith.constant 0 : i32
      %cond3A_143 = arith.cmpi ne, %convert_element_type3A_141, %cond3A_142 : i32
      scf.if %cond3A_143 {
        %ge3A = arith.constant 4 : i32
        %ge3A_659 = arith.cmpi sge, %add3A_132, %ge3A : i32
        %convert_element_type3A_660 = arith.extui %ge3A_659 : i1 to i32
        %cond3A_661 = arith.constant 0 : i32
        %cond3A_662 = arith.cmpi ne, %convert_element_type3A_660, %cond3A_661 : i32
        scf.if %cond3A_662 {
          %dma_wait3A_682 = arith.constant 2 : i32
          %dma_wait3A_683 = arith.constant 0 : i32
          %dma_wait3A_684 = arith.constant 0 : i32
          %dma_wait3A_685 = tpu.memref_slice %arg6[%dma_wait3A_682, %dma_wait3A_683, %dma_wait3A_684] : memref<4x512x32xf32, #tpu.memory_space<vmem>> -> memref<1x512x32xf32, #tpu.memory_space<vmem>>
          %dma_wait3A_686 = tpu.memref_squeeze %dma_wait3A_685 : memref<1x512x32xf32, #tpu.memory_space<vmem>> -> memref<512x32xf32, #tpu.memory_space<vmem>>
          %dma_wait3A_687 = arith.constant 0 : i32
          %dma_wait3A_688 = arith.constant 0 : i32
          %dma_wait3A_689 = tpu.memref_slice %arg4[%dma_wait3A_687, %dma_wait3A_688] : memref<819200x128xf32, #tpu.memory_space<hbm>> -> memref<512x32xf32, #tpu.memory_space<hbm>>
          %dma_wait3A_690 = arith.constant 0 : i32
          %dma_wait3A_691 = arith.constant 0 : i32
          %dma_wait3A_692 = tpu.memref_slice %arg4[%dma_wait3A_690, %dma_wait3A_691] : memref<819200x128xf32, #tpu.memory_space<hbm>> -> memref<512x32xf32, #tpu.memory_space<hbm>>
          %dma_wait3A_693 = arith.constant 0 : i32
          %dma_wait3A_694 = arith.constant 0 : i32
          %dma_wait3A_695 = tpu.memref_slice %arg6[%dma_wait3A_682, %dma_wait3A_693, %dma_wait3A_694] : memref<4x512x32xf32, #tpu.memory_space<vmem>> -> memref<1x512x32xf32, #tpu.memory_space<vmem>>
          %dma_wait3A_696 = tpu.memref_squeeze %dma_wait3A_695 : memref<1x512x32xf32, #tpu.memory_space<vmem>> -> memref<512x32xf32, #tpu.memory_space<vmem>>
          tpu.wait_dma2 semaphore(%arg13 : memref<!tpu.dma_semaphore, #tpu.memory_space<semaphore_mem>>) src(%dma_wait3A_696 : memref<512x32xf32, #tpu.memory_space<vmem>>) dst(%dma_wait3A_692 : memref<512x32xf32, #tpu.memory_space<hbm>>)
        } else {
        }
        %mul3A_663 = arith.constant 512 : i32
        %mul3A_664 = arith.muli %add3A_132, %mul3A_663 : i32
        %add3A_665 = arith.addi %mul3A_2, %mul3A_664 : i32
        %dma_wait3A_666 = arith.constant 1024 : i32
        %dma_wait3A_667 = tpu.memref_slice %arg5[%dma_wait3A_666] : memref<2048xi32, #tpu.memory_space<vmem>> -> memref<512xi32, #tpu.memory_space<vmem>>
        %dma_wait3A_668 = tpu.memref_slice %arg2[%add3A_665] : memref<3276800xi32, #tpu.memory_space<hbm>> -> memref<512xi32, #tpu.memory_space<hbm>>
        %dma_wait3A_669 = arith.constant 1024 : i32
        %dma_wait3A_670 = tpu.memref_slice %arg5[%dma_wait3A_669] : memref<2048xi32, #tpu.memory_space<vmem>> -> memref<512xi32, #tpu.memory_space<vmem>>
        %dma_wait3A_671 = tpu.memref_slice %arg2[%add3A_665] : memref<3276800xi32, #tpu.memory_space<hbm>> -> memref<512xi32, #tpu.memory_space<hbm>>
        tpu.wait_dma2 semaphore(%arg17 : memref<!tpu.dma_semaphore, #tpu.memory_space<semaphore_mem>>) src(%dma_wait3A_671 : memref<512xi32, #tpu.memory_space<hbm>>) dst(%dma_wait3A_670 : memref<512xi32, #tpu.memory_space<vmem>>)
        %dma_start3A_672 = arith.constant 2 : i32
        %dma_start3A_673 = arith.constant 0 : i32
        %dma_start3A_674 = arith.constant 0 : i32
        %dma_start3A_675 = tpu.memref_slice %arg6[%dma_start3A_672, %dma_start3A_673, %dma_start3A_674] : memref<4x512x32xf32, #tpu.memory_space<vmem>> -> memref<1x512x32xf32, #tpu.memory_space<vmem>>
        %dma_start3A_676 = tpu.memref_squeeze %dma_start3A_675 : memref<1x512x32xf32, #tpu.memory_space<vmem>> -> memref<512x32xf32, #tpu.memory_space<vmem>>
        %dma_start3A_677 = arith.constant 1024 : i32
        %dma_start3A_678 = tpu.memref_slice %arg5[%dma_start3A_677] : memref<2048xi32, #tpu.memory_space<vmem>> -> memref<512xi32, #tpu.memory_space<vmem>>
        %dma_start3A_679 = arith.constant 0 : i32
        %dma_start3A_680 = arith.constant 0 : i32
        %dma_start3A_681 = tpu.memref_slice %arg3[%dma_start3A_679, %dma_start3A_680] : memref<1000000x32xf32, #tpu.memory_space<hbm>> -> memref<1000000x32xf32, #tpu.memory_space<hbm>>
        tpu.enqueue_indirect_dma source(%dma_start3A_681 : memref<1000000x32xf32, #tpu.memory_space<hbm>>) target(%dma_start3A_676 : memref<512x32xf32, #tpu.memory_space<vmem>>) offsets(%dma_start3A_678 : memref<512xi32, #tpu.memory_space<vmem>>) semaphore(%arg9 : memref<!tpu.dma_semaphore, #tpu.memory_space<semaphore_mem>>)
      } else {
      }
      %dma_wait3A_144 = arith.constant 0 : i32
      %dma_wait3A_145 = arith.constant 0 : i32
      %dma_wait3A_146 = arith.constant 0 : i32
      %dma_wait3A_147 = tpu.memref_slice %arg6[%dma_wait3A_144, %dma_wait3A_145, %dma_wait3A_146] : memref<4x512x32xf32, #tpu.memory_space<vmem>> -> memref<1x512x32xf32, #tpu.memory_space<vmem>>
      %dma_wait3A_148 = tpu.memref_squeeze %dma_wait3A_147 : memref<1x512x32xf32, #tpu.memory_space<vmem>> -> memref<512x32xf32, #tpu.memory_space<vmem>>
      %dma_wait3A_149 = arith.constant 0 : i32
      %dma_wait3A_150 = tpu.memref_slice %arg5[%dma_wait3A_149] : memref<2048xi32, #tpu.memory_space<vmem>> -> memref<512xi32, #tpu.memory_space<vmem>>
      %dma_wait3A_151 = arith.constant 0 : i32
      %dma_wait3A_152 = arith.constant 0 : i32
      %dma_wait3A_153 = tpu.memref_slice %arg3[%dma_wait3A_151, %dma_wait3A_152] : memref<1000000x32xf32, #tpu.memory_space<hbm>> -> memref<1000000x32xf32, #tpu.memory_space<hbm>>
      tpu.wait_indirect_dma semaphore(%arg7 : memref<!tpu.dma_semaphore, #tpu.memory_space<semaphore_mem>>) src(%dma_wait3A_153 : memref<1000000x32xf32, #tpu.memory_space<hbm>>) dst(%dma_wait3A_148 : memref<512x32xf32, #tpu.memory_space<vmem>>)
      %mul3A_154 = arith.constant 512 : i32
      %mul3A_155 = arith.muli %add3A_130, %mul3A_154 : i32
      %add3A_156 = arith.addi %mul3A_2, %mul3A_155 : i32
      %jit3A = arith.constant 16384 : i32
      %div3A = arith.divsi %add3A_156, %jit3A : i32
      %sign3A = arith.constant 0 : i32
      %sign3A_157 = arith.cmpi sgt, %add3A_156, %sign3A : i32
      %sign3A_158 = arith.extui %sign3A_157 : i1 to i32
      %sign3A_159 = arith.constant 0 : i32
      %sign3A_160 = arith.cmpi slt, %add3A_156, %sign3A_159 : i32
      %sign3A_161 = arith.extui %sign3A_160 : i1 to i32
      %sign3A_162 = arith.subi %sign3A_158, %sign3A_161 : i32
      %sign3A_163 = arith.constant 0 : i32
      %sign3A_164 = arith.cmpi sgt, %jit3A, %sign3A_163 : i32
      %sign3A_165 = arith.extui %sign3A_164 : i1 to i32
      %sign3A_166 = arith.constant 0 : i32
      %sign3A_167 = arith.cmpi slt, %jit3A, %sign3A_166 : i32
      %sign3A_168 = arith.extui %sign3A_167 : i1 to i32
      %sign3A_169 = arith.subi %sign3A_165, %sign3A_168 : i32
      %ne3A = arith.cmpi ne, %sign3A_162, %sign3A_169 : i32
      %rem3A = arith.remsi %add3A_156, %jit3A : i32
      %ne3A_170 = arith.constant 0 : i32
      %ne3A_171 = arith.cmpi ne, %rem3A, %ne3A_170 : i32
      %and3A = arith.andi %ne3A, %ne3A_171 : i1
      %sub3A = arith.constant 1 : i32
      %sub3A_172 = arith.subi %div3A, %sub3A : i32
      %select_n3A = arith.select %and3A, %sub3A_172, %div3A : i32
      %jit3A_173 = arith.constant 4 : i32
      %div3A_174 = arith.divsi %select_n3A, %jit3A_173 : i32
      %sign3A_175 = arith.constant 0 : i32
      %sign3A_176 = arith.cmpi sgt, %select_n3A, %sign3A_175 : i32
      %sign3A_177 = arith.extui %sign3A_176 : i1 to i32
      %sign3A_178 = arith.constant 0 : i32
      %sign3A_179 = arith.cmpi slt, %select_n3A, %sign3A_178 : i32
      %sign3A_180 = arith.extui %sign3A_179 : i1 to i32
      %sign3A_181 = arith.subi %sign3A_177, %sign3A_180 : i32
      %sign3A_182 = arith.constant 0 : i32
      %sign3A_183 = arith.cmpi sgt, %jit3A_173, %sign3A_182 : i32
      %sign3A_184 = arith.extui %sign3A_183 : i1 to i32
      %sign3A_185 = arith.constant 0 : i32
      %sign3A_186 = arith.cmpi slt, %jit3A_173, %sign3A_185 : i32
      %sign3A_187 = arith.extui %sign3A_186 : i1 to i32
      %sign3A_188 = arith.subi %sign3A_184, %sign3A_187 : i32
      %ne3A_189 = arith.cmpi ne, %sign3A_181, %sign3A_188 : i32
      %rem3A_190 = arith.remsi %select_n3A, %jit3A_173 : i32
      %ne3A_191 = arith.constant 0 : i32
      %ne3A_192 = arith.cmpi ne, %rem3A_190, %ne3A_191 : i32
      %and3A_193 = arith.andi %ne3A_189, %ne3A_192 : i1
      %sub3A_194 = arith.constant 1 : i32
      %sub3A_195 = arith.subi %div3A_174, %sub3A_194 : i32
      %select_n3A_196 = arith.select %and3A_193, %sub3A_195, %div3A_174 : i32
      %mul3A_197 = arith.constant 16384 : i32
      %mul3A_198 = arith.muli %select_n3A_196, %mul3A_197 : i32
      %jit3A_199 = arith.constant 16384 : i32
      %eq3A = arith.constant 0 : i32
      %eq3A_200 = arith.cmpi eq, %jit3A_199, %eq3A : i32
      %jit3A_201 = arith.constant 1 : i32
      %select_n3A_202 = arith.select %eq3A_200, %jit3A_201, %jit3A_199 : i32
      %rem3A_203 = arith.remsi %add3A_156, %select_n3A_202 : i32
      %ne3A_204 = arith.constant 0 : i32
      %ne3A_205 = arith.cmpi ne, %rem3A_203, %ne3A_204 : i32
      %lt3A_206 = arith.constant 0 : i32
      %lt3A_207 = arith.cmpi slt, %rem3A_203, %lt3A_206 : i32
      %lt3A_208 = arith.constant 0 : i32
      %lt3A_209 = arith.cmpi slt, %select_n3A_202, %lt3A_208 : i32
      %ne3A_210 = arith.xori %lt3A_207, %lt3A_209 : i1
      %and3A_211 = arith.andi %ne3A_210, %ne3A_205 : i1
      %add3A_212 = arith.addi %rem3A_203, %select_n3A_202 : i32
      %select_n3A_213 = arith.select %and3A_211, %add3A_212, %rem3A_203 : i32
      %add3A_214 = arith.addi %mul3A_198, %select_n3A_213 : i32
      %jit3A_215 = arith.constant 4 : i32
      %eq3A_216 = arith.constant 0 : i32
      %eq3A_217 = arith.cmpi eq, %jit3A_215, %eq3A_216 : i32
      %jit3A_218 = arith.constant 1 : i32
      %select_n3A_219 = arith.select %eq3A_217, %jit3A_218, %jit3A_215 : i32
      %rem3A_220 = arith.remsi %select_n3A, %select_n3A_219 : i32
      %ne3A_221 = arith.constant 0 : i32
      %ne3A_222 = arith.cmpi ne, %rem3A_220, %ne3A_221 : i32
      %lt3A_223 = arith.constant 0 : i32
      %lt3A_224 = arith.cmpi slt, %rem3A_220, %lt3A_223 : i32
      %lt3A_225 = arith.constant 0 : i32
      %lt3A_226 = arith.cmpi slt, %select_n3A_219, %lt3A_225 : i32
      %ne3A_227 = arith.xori %lt3A_224, %lt3A_226 : i1
      %and3A_228 = arith.andi %ne3A_227, %ne3A_222 : i1
      %add3A_229 = arith.addi %rem3A_220, %select_n3A_219 : i32
      %select_n3A_230 = arith.select %and3A_228, %add3A_229, %rem3A_220 : i32
      %eq3A_231 = arith.constant 0 : i32
      %eq3A_232 = arith.cmpi eq, %select_n3A_230, %eq3A_231 : i32
      %convert_element_type3A_233 = arith.extui %eq3A_232 : i1 to i32
      %cond3A_234 = arith.constant 0 : i32
      %cond3A_235 = arith.cmpi ne, %convert_element_type3A_233, %cond3A_234 : i32
      scf.if %cond3A_235 {
        %dma_start3A_659 = arith.constant 0 : i32
        %dma_start3A_660 = arith.constant 0 : i32
        %dma_start3A_661 = arith.constant 0 : i32
        %dma_start3A_662 = tpu.memref_slice %arg6[%dma_start3A_659, %dma_start3A_660, %dma_start3A_661] : memref<4x512x32xf32, #tpu.memory_space<vmem>> -> memref<1x512x32xf32, #tpu.memory_space<vmem>>
        %dma_start3A_663 = tpu.memref_squeeze %dma_start3A_662 : memref<1x512x32xf32, #tpu.memory_space<vmem>> -> memref<512x32xf32, #tpu.memory_space<vmem>>
        %dma_start3A_664 = arith.constant 0 : i32
        %dma_start3A_665 = tpu.memref_slice %arg4[%add3A_214, %dma_start3A_664] : memref<819200x128xf32, #tpu.memory_space<hbm>> -> memref<512x32xf32, #tpu.memory_space<hbm>>
        %dma_start3A_666 = arith.constant 0 : i32
        %dma_start3A_667 = tpu.memref_slice %arg4[%add3A_214, %dma_start3A_666] : memref<819200x128xf32, #tpu.memory_space<hbm>> -> memref<512x32xf32, #tpu.memory_space<hbm>>
        %dma_start3A_668 = arith.constant 0 : i32
        %dma_start3A_669 = arith.constant 0 : i32
        %dma_start3A_670 = tpu.memref_slice %arg6[%dma_start3A_659, %dma_start3A_668, %dma_start3A_669] : memref<4x512x32xf32, #tpu.memory_space<vmem>> -> memref<1x512x32xf32, #tpu.memory_space<vmem>>
        %dma_start3A_671 = tpu.memref_squeeze %dma_start3A_670 : memref<1x512x32xf32, #tpu.memory_space<vmem>> -> memref<512x32xf32, #tpu.memory_space<vmem>>
        tpu.enqueue_dma source(%dma_start3A_671 : memref<512x32xf32, #tpu.memory_space<vmem>>) target(%dma_start3A_667 : memref<512x32xf32, #tpu.memory_space<hbm>>) target_semaphore(%arg11 : memref<!tpu.dma_semaphore, #tpu.memory_space<semaphore_mem>>)
      } else {
      }
      %eq3A_236 = arith.constant 1 : i32
      %eq3A_237 = arith.cmpi eq, %select_n3A_230, %eq3A_236 : i32
      %convert_element_type3A_238 = arith.extui %eq3A_237 : i1 to i32
      %cond3A_239 = arith.constant 0 : i32
      %cond3A_240 = arith.cmpi ne, %convert_element_type3A_238, %cond3A_239 : i32
      scf.if %cond3A_240 {
        %dma_start3A_659 = arith.constant 0 : i32
        %dma_start3A_660 = arith.constant 0 : i32
        %dma_start3A_661 = arith.constant 0 : i32
        %dma_start3A_662 = tpu.memref_slice %arg6[%dma_start3A_659, %dma_start3A_660, %dma_start3A_661] : memref<4x512x32xf32, #tpu.memory_space<vmem>> -> memref<1x512x32xf32, #tpu.memory_space<vmem>>
        %dma_start3A_663 = tpu.memref_squeeze %dma_start3A_662 : memref<1x512x32xf32, #tpu.memory_space<vmem>> -> memref<512x32xf32, #tpu.memory_space<vmem>>
        %dma_start3A_664 = arith.constant 32 : i32
        %dma_start3A_665 = tpu.memref_slice %arg4[%add3A_214, %dma_start3A_664] : memref<819200x128xf32, #tpu.memory_space<hbm>> -> memref<512x32xf32, #tpu.memory_space<hbm>>
        %dma_start3A_666 = arith.constant 32 : i32
        %dma_start3A_667 = tpu.memref_slice %arg4[%add3A_214, %dma_start3A_666] : memref<819200x128xf32, #tpu.memory_space<hbm>> -> memref<512x32xf32, #tpu.memory_space<hbm>>
        %dma_start3A_668 = arith.constant 0 : i32
        %dma_start3A_669 = arith.constant 0 : i32
        %dma_start3A_670 = tpu.memref_slice %arg6[%dma_start3A_659, %dma_start3A_668, %dma_start3A_669] : memref<4x512x32xf32, #tpu.memory_space<vmem>> -> memref<1x512x32xf32, #tpu.memory_space<vmem>>
        %dma_start3A_671 = tpu.memref_squeeze %dma_start3A_670 : memref<1x512x32xf32, #tpu.memory_space<vmem>> -> memref<512x32xf32, #tpu.memory_space<vmem>>
        tpu.enqueue_dma source(%dma_start3A_671 : memref<512x32xf32, #tpu.memory_space<vmem>>) target(%dma_start3A_667 : memref<512x32xf32, #tpu.memory_space<hbm>>) target_semaphore(%arg11 : memref<!tpu.dma_semaphore, #tpu.memory_space<semaphore_mem>>)
      } else {
      }
      %eq3A_241 = arith.constant 2 : i32
      %eq3A_242 = arith.cmpi eq, %select_n3A_230, %eq3A_241 : i32
      %convert_element_type3A_243 = arith.extui %eq3A_242 : i1 to i32
      %cond3A_244 = arith.constant 0 : i32
      %cond3A_245 = arith.cmpi ne, %convert_element_type3A_243, %cond3A_244 : i32
      scf.if %cond3A_245 {
        %dma_start3A_659 = arith.constant 0 : i32
        %dma_start3A_660 = arith.constant 0 : i32
        %dma_start3A_661 = arith.constant 0 : i32
        %dma_start3A_662 = tpu.memref_slice %arg6[%dma_start3A_659, %dma_start3A_660, %dma_start3A_661] : memref<4x512x32xf32, #tpu.memory_space<vmem>> -> memref<1x512x32xf32, #tpu.memory_space<vmem>>
        %dma_start3A_663 = tpu.memref_squeeze %dma_start3A_662 : memref<1x512x32xf32, #tpu.memory_space<vmem>> -> memref<512x32xf32, #tpu.memory_space<vmem>>
        %dma_start3A_664 = arith.constant 64 : i32
        %dma_start3A_665 = tpu.memref_slice %arg4[%add3A_214, %dma_start3A_664] : memref<819200x128xf32, #tpu.memory_space<hbm>> -> memref<512x32xf32, #tpu.memory_space<hbm>>
        %dma_start3A_666 = arith.constant 64 : i32
        %dma_start3A_667 = tpu.memref_slice %arg4[%add3A_214, %dma_start3A_666] : memref<819200x128xf32, #tpu.memory_space<hbm>> -> memref<512x32xf32, #tpu.memory_space<hbm>>
        %dma_start3A_668 = arith.constant 0 : i32
        %dma_start3A_669 = arith.constant 0 : i32
        %dma_start3A_670 = tpu.memref_slice %arg6[%dma_start3A_659, %dma_start3A_668, %dma_start3A_669] : memref<4x512x32xf32, #tpu.memory_space<vmem>> -> memref<1x512x32xf32, #tpu.memory_space<vmem>>
        %dma_start3A_671 = tpu.memref_squeeze %dma_start3A_670 : memref<1x512x32xf32, #tpu.memory_space<vmem>> -> memref<512x32xf32, #tpu.memory_space<vmem>>
        tpu.enqueue_dma source(%dma_start3A_671 : memref<512x32xf32, #tpu.memory_space<vmem>>) target(%dma_start3A_667 : memref<512x32xf32, #tpu.memory_space<hbm>>) target_semaphore(%arg11 : memref<!tpu.dma_semaphore, #tpu.memory_space<semaphore_mem>>)
      } else {
      }
      %eq3A_246 = arith.constant 3 : i32
      %eq3A_247 = arith.cmpi eq, %select_n3A_230, %eq3A_246 : i32
      %convert_element_type3A_248 = arith.extui %eq3A_247 : i1 to i32
      %cond3A_249 = arith.constant 0 : i32
      %cond3A_250 = arith.cmpi ne, %convert_element_type3A_248, %cond3A_249 : i32
      scf.if %cond3A_250 {
        %dma_start3A_659 = arith.constant 0 : i32
        %dma_start3A_660 = arith.constant 0 : i32
        %dma_start3A_661 = arith.constant 0 : i32
        %dma_start3A_662 = tpu.memref_slice %arg6[%dma_start3A_659, %dma_start3A_660, %dma_start3A_661] : memref<4x512x32xf32, #tpu.memory_space<vmem>> -> memref<1x512x32xf32, #tpu.memory_space<vmem>>
        %dma_start3A_663 = tpu.memref_squeeze %dma_start3A_662 : memref<1x512x32xf32, #tpu.memory_space<vmem>> -> memref<512x32xf32, #tpu.memory_space<vmem>>
        %dma_start3A_664 = arith.constant 96 : i32
        %dma_start3A_665 = tpu.memref_slice %arg4[%add3A_214, %dma_start3A_664] : memref<819200x128xf32, #tpu.memory_space<hbm>> -> memref<512x32xf32, #tpu.memory_space<hbm>>
        %dma_start3A_666 = arith.constant 96 : i32
        %dma_start3A_667 = tpu.memref_slice %arg4[%add3A_214, %dma_start3A_666] : memref<819200x128xf32, #tpu.memory_space<hbm>> -> memref<512x32xf32, #tpu.memory_space<hbm>>
        %dma_start3A_668 = arith.constant 0 : i32
        %dma_start3A_669 = arith.constant 0 : i32
        %dma_start3A_670 = tpu.memref_slice %arg6[%dma_start3A_659, %dma_start3A_668, %dma_start3A_669] : memref<4x512x32xf32, #tpu.memory_space<vmem>> -> memref<1x512x32xf32, #tpu.memory_space<vmem>>
        %dma_start3A_671 = tpu.memref_squeeze %dma_start3A_670 : memref<1x512x32xf32, #tpu.memory_space<vmem>> -> memref<512x32xf32, #tpu.memory_space<vmem>>
        tpu.enqueue_dma source(%dma_start3A_671 : memref<512x32xf32, #tpu.memory_space<vmem>>) target(%dma_start3A_667 : memref<512x32xf32, #tpu.memory_space<hbm>>) target_semaphore(%arg11 : memref<!tpu.dma_semaphore, #tpu.memory_space<semaphore_mem>>)
      } else {
      }
      %mul3A_251 = arith.constant 4 : i32
      %mul3A_252 = arith.muli %scan3A_126, %mul3A_251 : i32
      %add3A_253 = arith.constant 1 : i32
      %add3A_254 = arith.addi %mul3A_252, %add3A_253 : i32
      %add3A_255 = arith.constant 2 : i32
      %add3A_256 = arith.addi %add3A_254, %add3A_255 : i32
      %add3A_257 = arith.constant 2 : i32
      %add3A_258 = arith.addi %add3A_254, %add3A_257 : i32
      %add3A_259 = arith.constant 1 : i32
      %add3A_260 = arith.addi %add3A_258, %add3A_259 : i32
      %lt3A_261 = arith.constant 200 : i32
      %lt3A_262 = arith.cmpi slt, %add3A_260, %lt3A_261 : i32
      %convert_element_type3A_263 = arith.extui %lt3A_262 : i1 to i32
      %cond3A_264 = arith.constant 0 : i32
      %cond3A_265 = arith.cmpi ne, %convert_element_type3A_263, %cond3A_264 : i32
      scf.if %cond3A_265 {
        %add3A_659 = arith.constant 2 : i32
        %add3A_660 = arith.addi %add3A_254, %add3A_659 : i32
        %add3A_661 = arith.constant 1 : i32
        %add3A_662 = arith.addi %add3A_660, %add3A_661 : i32
        %mul3A_663 = arith.constant 512 : i32
        %mul3A_664 = arith.muli %add3A_662, %mul3A_663 : i32
        %add3A_665 = arith.addi %mul3A_2, %mul3A_664 : i32
        %dma_start3A_666 = arith.constant 0 : i32
        %dma_start3A_667 = tpu.memref_slice %arg5[%dma_start3A_666] : memref<2048xi32, #tpu.memory_space<vmem>> -> memref<512xi32, #tpu.memory_space<vmem>>
        %dma_start3A_668 = tpu.memref_slice %arg2[%add3A_665] : memref<3276800xi32, #tpu.memory_space<hbm>> -> memref<512xi32, #tpu.memory_space<hbm>>
        %dma_start3A_669 = arith.constant 0 : i32
        %dma_start3A_670 = tpu.memref_slice %arg5[%dma_start3A_669] : memref<2048xi32, #tpu.memory_space<vmem>> -> memref<512xi32, #tpu.memory_space<vmem>>
        %dma_start3A_671 = tpu.memref_slice %arg2[%add3A_665] : memref<3276800xi32, #tpu.memory_space<hbm>> -> memref<512xi32, #tpu.memory_space<hbm>>
        tpu.enqueue_dma source(%dma_start3A_671 : memref<512xi32, #tpu.memory_space<hbm>>) target(%dma_start3A_670 : memref<512xi32, #tpu.memory_space<vmem>>) target_semaphore(%arg15 : memref<!tpu.dma_semaphore, #tpu.memory_space<semaphore_mem>>)
      } else {
      }
      %lt3A_266 = arith.constant 200 : i32
      %lt3A_267 = arith.cmpi slt, %add3A_256, %lt3A_266 : i32
      %convert_element_type3A_268 = arith.extui %lt3A_267 : i1 to i32
      %cond3A_269 = arith.constant 0 : i32
      %cond3A_270 = arith.cmpi ne, %convert_element_type3A_268, %cond3A_269 : i32
      scf.if %cond3A_270 {
        %ge3A = arith.constant 4 : i32
        %ge3A_659 = arith.cmpi sge, %add3A_256, %ge3A : i32
        %convert_element_type3A_660 = arith.extui %ge3A_659 : i1 to i32
        %cond3A_661 = arith.constant 0 : i32
        %cond3A_662 = arith.cmpi ne, %convert_element_type3A_660, %cond3A_661 : i32
        scf.if %cond3A_662 {
          %dma_wait3A_682 = arith.constant 3 : i32
          %dma_wait3A_683 = arith.constant 0 : i32
          %dma_wait3A_684 = arith.constant 0 : i32
          %dma_wait3A_685 = tpu.memref_slice %arg6[%dma_wait3A_682, %dma_wait3A_683, %dma_wait3A_684] : memref<4x512x32xf32, #tpu.memory_space<vmem>> -> memref<1x512x32xf32, #tpu.memory_space<vmem>>
          %dma_wait3A_686 = tpu.memref_squeeze %dma_wait3A_685 : memref<1x512x32xf32, #tpu.memory_space<vmem>> -> memref<512x32xf32, #tpu.memory_space<vmem>>
          %dma_wait3A_687 = arith.constant 0 : i32
          %dma_wait3A_688 = arith.constant 0 : i32
          %dma_wait3A_689 = tpu.memref_slice %arg4[%dma_wait3A_687, %dma_wait3A_688] : memref<819200x128xf32, #tpu.memory_space<hbm>> -> memref<512x32xf32, #tpu.memory_space<hbm>>
          %dma_wait3A_690 = arith.constant 0 : i32
          %dma_wait3A_691 = arith.constant 0 : i32
          %dma_wait3A_692 = tpu.memref_slice %arg4[%dma_wait3A_690, %dma_wait3A_691] : memref<819200x128xf32, #tpu.memory_space<hbm>> -> memref<512x32xf32, #tpu.memory_space<hbm>>
          %dma_wait3A_693 = arith.constant 0 : i32
          %dma_wait3A_694 = arith.constant 0 : i32
          %dma_wait3A_695 = tpu.memref_slice %arg6[%dma_wait3A_682, %dma_wait3A_693, %dma_wait3A_694] : memref<4x512x32xf32, #tpu.memory_space<vmem>> -> memref<1x512x32xf32, #tpu.memory_space<vmem>>
          %dma_wait3A_696 = tpu.memref_squeeze %dma_wait3A_695 : memref<1x512x32xf32, #tpu.memory_space<vmem>> -> memref<512x32xf32, #tpu.memory_space<vmem>>
          tpu.wait_dma2 semaphore(%arg14 : memref<!tpu.dma_semaphore, #tpu.memory_space<semaphore_mem>>) src(%dma_wait3A_696 : memref<512x32xf32, #tpu.memory_space<vmem>>) dst(%dma_wait3A_692 : memref<512x32xf32, #tpu.memory_space<hbm>>)
        } else {
        }
        %mul3A_663 = arith.constant 512 : i32
        %mul3A_664 = arith.muli %add3A_256, %mul3A_663 : i32
        %add3A_665 = arith.addi %mul3A_2, %mul3A_664 : i32
        %dma_wait3A_666 = arith.constant 1536 : i32
        %dma_wait3A_667 = tpu.memref_slice %arg5[%dma_wait3A_666] : memref<2048xi32, #tpu.memory_space<vmem>> -> memref<512xi32, #tpu.memory_space<vmem>>
        %dma_wait3A_668 = tpu.memref_slice %arg2[%add3A_665] : memref<3276800xi32, #tpu.memory_space<hbm>> -> memref<512xi32, #tpu.memory_space<hbm>>
        %dma_wait3A_669 = arith.constant 1536 : i32
        %dma_wait3A_670 = tpu.memref_slice %arg5[%dma_wait3A_669] : memref<2048xi32, #tpu.memory_space<vmem>> -> memref<512xi32, #tpu.memory_space<vmem>>
        %dma_wait3A_671 = tpu.memref_slice %arg2[%add3A_665] : memref<3276800xi32, #tpu.memory_space<hbm>> -> memref<512xi32, #tpu.memory_space<hbm>>
        tpu.wait_dma2 semaphore(%arg18 : memref<!tpu.dma_semaphore, #tpu.memory_space<semaphore_mem>>) src(%dma_wait3A_671 : memref<512xi32, #tpu.memory_space<hbm>>) dst(%dma_wait3A_670 : memref<512xi32, #tpu.memory_space<vmem>>)
        %dma_start3A_672 = arith.constant 3 : i32
        %dma_start3A_673 = arith.constant 0 : i32
        %dma_start3A_674 = arith.constant 0 : i32
        %dma_start3A_675 = tpu.memref_slice %arg6[%dma_start3A_672, %dma_start3A_673, %dma_start3A_674] : memref<4x512x32xf32, #tpu.memory_space<vmem>> -> memref<1x512x32xf32, #tpu.memory_space<vmem>>
        %dma_start3A_676 = tpu.memref_squeeze %dma_start3A_675 : memref<1x512x32xf32, #tpu.memory_space<vmem>> -> memref<512x32xf32, #tpu.memory_space<vmem>>
        %dma_start3A_677 = arith.constant 1536 : i32
        %dma_start3A_678 = tpu.memref_slice %arg5[%dma_start3A_677] : memref<2048xi32, #tpu.memory_space<vmem>> -> memref<512xi32, #tpu.memory_space<vmem>>
        %dma_start3A_679 = arith.constant 0 : i32
        %dma_start3A_680 = arith.constant 0 : i32
        %dma_start3A_681 = tpu.memref_slice %arg3[%dma_start3A_679, %dma_start3A_680] : memref<1000000x32xf32, #tpu.memory_space<hbm>> -> memref<1000000x32xf32, #tpu.memory_space<hbm>>
        tpu.enqueue_indirect_dma source(%dma_start3A_681 : memref<1000000x32xf32, #tpu.memory_space<hbm>>) target(%dma_start3A_676 : memref<512x32xf32, #tpu.memory_space<vmem>>) offsets(%dma_start3A_678 : memref<512xi32, #tpu.memory_space<vmem>>) semaphore(%arg10 : memref<!tpu.dma_semaphore, #tpu.memory_space<semaphore_mem>>)
      } else {
      }
      %dma_wait3A_271 = arith.constant 1 : i32
      %dma_wait3A_272 = arith.constant 0 : i32
      %dma_wait3A_273 = arith.constant 0 : i32
      %dma_wait3A_274 = tpu.memref_slice %arg6[%dma_wait3A_271, %dma_wait3A_272, %dma_wait3A_273] : memref<4x512x32xf32, #tpu.memory_space<vmem>> -> memref<1x512x32xf32, #tpu.memory_space<vmem>>
      %dma_wait3A_275 = tpu.memref_squeeze %dma_wait3A_274 : memref<1x512x32xf32, #tpu.memory_space<vmem>> -> memref<512x32xf32, #tpu.memory_space<vmem>>
      %dma_wait3A_276 = arith.constant 512 : i32
      %dma_wait3A_277 = tpu.memref_slice %arg5[%dma_wait3A_276] : memref<2048xi32, #tpu.memory_space<vmem>> -> memref<512xi32, #tpu.memory_space<vmem>>
      %dma_wait3A_278 = arith.constant 0 : i32
      %dma_wait3A_279 = arith.constant 0 : i32
      %dma_wait3A_280 = tpu.memref_slice %arg3[%dma_wait3A_278, %dma_wait3A_279] : memref<1000000x32xf32, #tpu.memory_space<hbm>> -> memref<1000000x32xf32, #tpu.memory_space<hbm>>
      tpu.wait_indirect_dma semaphore(%arg8 : memref<!tpu.dma_semaphore, #tpu.memory_space<semaphore_mem>>) src(%dma_wait3A_280 : memref<1000000x32xf32, #tpu.memory_space<hbm>>) dst(%dma_wait3A_275 : memref<512x32xf32, #tpu.memory_space<vmem>>)
      %mul3A_281 = arith.constant 512 : i32
      %mul3A_282 = arith.muli %add3A_254, %mul3A_281 : i32
      %add3A_283 = arith.addi %mul3A_2, %mul3A_282 : i32
      %jit3A_284 = arith.constant 16384 : i32
      %div3A_285 = arith.divsi %add3A_283, %jit3A_284 : i32
      %sign3A_286 = arith.constant 0 : i32
      %sign3A_287 = arith.cmpi sgt, %add3A_283, %sign3A_286 : i32
      %sign3A_288 = arith.extui %sign3A_287 : i1 to i32
      %sign3A_289 = arith.constant 0 : i32
      %sign3A_290 = arith.cmpi slt, %add3A_283, %sign3A_289 : i32
      %sign3A_291 = arith.extui %sign3A_290 : i1 to i32
      %sign3A_292 = arith.subi %sign3A_288, %sign3A_291 : i32
      %sign3A_293 = arith.constant 0 : i32
      %sign3A_294 = arith.cmpi sgt, %jit3A_284, %sign3A_293 : i32
      %sign3A_295 = arith.extui %sign3A_294 : i1 to i32
      %sign3A_296 = arith.constant 0 : i32
      %sign3A_297 = arith.cmpi slt, %jit3A_284, %sign3A_296 : i32
      %sign3A_298 = arith.extui %sign3A_297 : i1 to i32
      %sign3A_299 = arith.subi %sign3A_295, %sign3A_298 : i32
      %ne3A_300 = arith.cmpi ne, %sign3A_292, %sign3A_299 : i32
      %rem3A_301 = arith.remsi %add3A_283, %jit3A_284 : i32
      %ne3A_302 = arith.constant 0 : i32
      %ne3A_303 = arith.cmpi ne, %rem3A_301, %ne3A_302 : i32
      %and3A_304 = arith.andi %ne3A_300, %ne3A_303 : i1
      %sub3A_305 = arith.constant 1 : i32
      %sub3A_306 = arith.subi %div3A_285, %sub3A_305 : i32
      %select_n3A_307 = arith.select %and3A_304, %sub3A_306, %div3A_285 : i32
      %jit3A_308 = arith.constant 4 : i32
      %div3A_309 = arith.divsi %select_n3A_307, %jit3A_308 : i32
      %sign3A_310 = arith.constant 0 : i32
      %sign3A_311 = arith.cmpi sgt, %select_n3A_307, %sign3A_310 : i32
      %sign3A_312 = arith.extui %sign3A_311 : i1 to i32
      %sign3A_313 = arith.constant 0 : i32
      %sign3A_314 = arith.cmpi slt, %select_n3A_307, %sign3A_313 : i32
      %sign3A_315 = arith.extui %sign3A_314 : i1 to i32
      %sign3A_316 = arith.subi %sign3A_312, %sign3A_315 : i32
      %sign3A_317 = arith.constant 0 : i32
      %sign3A_318 = arith.cmpi sgt, %jit3A_308, %sign3A_317 : i32
      %sign3A_319 = arith.extui %sign3A_318 : i1 to i32
      %sign3A_320 = arith.constant 0 : i32
      %sign3A_321 = arith.cmpi slt, %jit3A_308, %sign3A_320 : i32
      %sign3A_322 = arith.extui %sign3A_321 : i1 to i32
      %sign3A_323 = arith.subi %sign3A_319, %sign3A_322 : i32
      %ne3A_324 = arith.cmpi ne, %sign3A_316, %sign3A_323 : i32
      %rem3A_325 = arith.remsi %select_n3A_307, %jit3A_308 : i32
      %ne3A_326 = arith.constant 0 : i32
      %ne3A_327 = arith.cmpi ne, %rem3A_325, %ne3A_326 : i32
      %and3A_328 = arith.andi %ne3A_324, %ne3A_327 : i1
      %sub3A_329 = arith.constant 1 : i32
      %sub3A_330 = arith.subi %div3A_309, %sub3A_329 : i32
      %select_n3A_331 = arith.select %and3A_328, %sub3A_330, %div3A_309 : i32
      %mul3A_332 = arith.constant 16384 : i32
      %mul3A_333 = arith.muli %select_n3A_331, %mul3A_332 : i32
      %jit3A_334 = arith.constant 16384 : i32
      %eq3A_335 = arith.constant 0 : i32
      %eq3A_336 = arith.cmpi eq, %jit3A_334, %eq3A_335 : i32
      %jit3A_337 = arith.constant 1 : i32
      %select_n3A_338 = arith.select %eq3A_336, %jit3A_337, %jit3A_334 : i32
      %rem3A_339 = arith.remsi %add3A_283, %select_n3A_338 : i32
      %ne3A_340 = arith.constant 0 : i32
      %ne3A_341 = arith.cmpi ne, %rem3A_339, %ne3A_340 : i32
      %lt3A_342 = arith.constant 0 : i32
      %lt3A_343 = arith.cmpi slt, %rem3A_339, %lt3A_342 : i32
      %lt3A_344 = arith.constant 0 : i32
      %lt3A_345 = arith.cmpi slt, %select_n3A_338, %lt3A_344 : i32
      %ne3A_346 = arith.xori %lt3A_343, %lt3A_345 : i1
      %and3A_347 = arith.andi %ne3A_346, %ne3A_341 : i1
      %add3A_348 = arith.addi %rem3A_339, %select_n3A_338 : i32
      %select_n3A_349 = arith.select %and3A_347, %add3A_348, %rem3A_339 : i32
      %add3A_350 = arith.addi %mul3A_333, %select_n3A_349 : i32
      %jit3A_351 = arith.constant 4 : i32
      %eq3A_352 = arith.constant 0 : i32
      %eq3A_353 = arith.cmpi eq, %jit3A_351, %eq3A_352 : i32
      %jit3A_354 = arith.constant 1 : i32
      %select_n3A_355 = arith.select %eq3A_353, %jit3A_354, %jit3A_351 : i32
      %rem3A_356 = arith.remsi %select_n3A_307, %select_n3A_355 : i32
      %ne3A_357 = arith.constant 0 : i32
      %ne3A_358 = arith.cmpi ne, %rem3A_356, %ne3A_357 : i32
      %lt3A_359 = arith.constant 0 : i32
      %lt3A_360 = arith.cmpi slt, %rem3A_356, %lt3A_359 : i32
      %lt3A_361 = arith.constant 0 : i32
      %lt3A_362 = arith.cmpi slt, %select_n3A_355, %lt3A_361 : i32
      %ne3A_363 = arith.xori %lt3A_360, %lt3A_362 : i1
      %and3A_364 = arith.andi %ne3A_363, %ne3A_358 : i1
      %add3A_365 = arith.addi %rem3A_356, %select_n3A_355 : i32
      %select_n3A_366 = arith.select %and3A_364, %add3A_365, %rem3A_356 : i32
      %eq3A_367 = arith.constant 0 : i32
      %eq3A_368 = arith.cmpi eq, %select_n3A_366, %eq3A_367 : i32
      %convert_element_type3A_369 = arith.extui %eq3A_368 : i1 to i32
      %cond3A_370 = arith.constant 0 : i32
      %cond3A_371 = arith.cmpi ne, %convert_element_type3A_369, %cond3A_370 : i32
      scf.if %cond3A_371 {
        %dma_start3A_659 = arith.constant 1 : i32
        %dma_start3A_660 = arith.constant 0 : i32
        %dma_start3A_661 = arith.constant 0 : i32
        %dma_start3A_662 = tpu.memref_slice %arg6[%dma_start3A_659, %dma_start3A_660, %dma_start3A_661] : memref<4x512x32xf32, #tpu.memory_space<vmem>> -> memref<1x512x32xf32, #tpu.memory_space<vmem>>
        %dma_start3A_663 = tpu.memref_squeeze %dma_start3A_662 : memref<1x512x32xf32, #tpu.memory_space<vmem>> -> memref<512x32xf32, #tpu.memory_space<vmem>>
        %dma_start3A_664 = arith.constant 0 : i32
        %dma_start3A_665 = tpu.memref_slice %arg4[%add3A_350, %dma_start3A_664] : memref<819200x128xf32, #tpu.memory_space<hbm>> -> memref<512x32xf32, #tpu.memory_space<hbm>>
        %dma_start3A_666 = arith.constant 0 : i32
        %dma_start3A_667 = tpu.memref_slice %arg4[%add3A_350, %dma_start3A_666] : memref<819200x128xf32, #tpu.memory_space<hbm>> -> memref<512x32xf32, #tpu.memory_space<hbm>>
        %dma_start3A_668 = arith.constant 0 : i32
        %dma_start3A_669 = arith.constant 0 : i32
        %dma_start3A_670 = tpu.memref_slice %arg6[%dma_start3A_659, %dma_start3A_668, %dma_start3A_669] : memref<4x512x32xf32, #tpu.memory_space<vmem>> -> memref<1x512x32xf32, #tpu.memory_space<vmem>>
        %dma_start3A_671 = tpu.memref_squeeze %dma_start3A_670 : memref<1x512x32xf32, #tpu.memory_space<vmem>> -> memref<512x32xf32, #tpu.memory_space<vmem>>
        tpu.enqueue_dma source(%dma_start3A_671 : memref<512x32xf32, #tpu.memory_space<vmem>>) target(%dma_start3A_667 : memref<512x32xf32, #tpu.memory_space<hbm>>) target_semaphore(%arg12 : memref<!tpu.dma_semaphore, #tpu.memory_space<semaphore_mem>>)
      } else {
      }
      %eq3A_372 = arith.constant 1 : i32
      %eq3A_373 = arith.cmpi eq, %select_n3A_366, %eq3A_372 : i32
      %convert_element_type3A_374 = arith.extui %eq3A_373 : i1 to i32
      %cond3A_375 = arith.constant 0 : i32
      %cond3A_376 = arith.cmpi ne, %convert_element_type3A_374, %cond3A_375 : i32
      scf.if %cond3A_376 {
        %dma_start3A_659 = arith.constant 1 : i32
        %dma_start3A_660 = arith.constant 0 : i32
        %dma_start3A_661 = arith.constant 0 : i32
        %dma_start3A_662 = tpu.memref_slice %arg6[%dma_start3A_659, %dma_start3A_660, %dma_start3A_661] : memref<4x512x32xf32, #tpu.memory_space<vmem>> -> memref<1x512x32xf32, #tpu.memory_space<vmem>>
        %dma_start3A_663 = tpu.memref_squeeze %dma_start3A_662 : memref<1x512x32xf32, #tpu.memory_space<vmem>> -> memref<512x32xf32, #tpu.memory_space<vmem>>
        %dma_start3A_664 = arith.constant 32 : i32
        %dma_start3A_665 = tpu.memref_slice %arg4[%add3A_350, %dma_start3A_664] : memref<819200x128xf32, #tpu.memory_space<hbm>> -> memref<512x32xf32, #tpu.memory_space<hbm>>
        %dma_start3A_666 = arith.constant 32 : i32
        %dma_start3A_667 = tpu.memref_slice %arg4[%add3A_350, %dma_start3A_666] : memref<819200x128xf32, #tpu.memory_space<hbm>> -> memref<512x32xf32, #tpu.memory_space<hbm>>
        %dma_start3A_668 = arith.constant 0 : i32
        %dma_start3A_669 = arith.constant 0 : i32
        %dma_start3A_670 = tpu.memref_slice %arg6[%dma_start3A_659, %dma_start3A_668, %dma_start3A_669] : memref<4x512x32xf32, #tpu.memory_space<vmem>> -> memref<1x512x32xf32, #tpu.memory_space<vmem>>
        %dma_start3A_671 = tpu.memref_squeeze %dma_start3A_670 : memref<1x512x32xf32, #tpu.memory_space<vmem>> -> memref<512x32xf32, #tpu.memory_space<vmem>>
        tpu.enqueue_dma source(%dma_start3A_671 : memref<512x32xf32, #tpu.memory_space<vmem>>) target(%dma_start3A_667 : memref<512x32xf32, #tpu.memory_space<hbm>>) target_semaphore(%arg12 : memref<!tpu.dma_semaphore, #tpu.memory_space<semaphore_mem>>)
      } else {
      }
      %eq3A_377 = arith.constant 2 : i32
      %eq3A_378 = arith.cmpi eq, %select_n3A_366, %eq3A_377 : i32
      %convert_element_type3A_379 = arith.extui %eq3A_378 : i1 to i32
      %cond3A_380 = arith.constant 0 : i32
      %cond3A_381 = arith.cmpi ne, %convert_element_type3A_379, %cond3A_380 : i32
      scf.if %cond3A_381 {
        %dma_start3A_659 = arith.constant 1 : i32
        %dma_start3A_660 = arith.constant 0 : i32
        %dma_start3A_661 = arith.constant 0 : i32
        %dma_start3A_662 = tpu.memref_slice %arg6[%dma_start3A_659, %dma_start3A_660, %dma_start3A_661] : memref<4x512x32xf32, #tpu.memory_space<vmem>> -> memref<1x512x32xf32, #tpu.memory_space<vmem>>
        %dma_start3A_663 = tpu.memref_squeeze %dma_start3A_662 : memref<1x512x32xf32, #tpu.memory_space<vmem>> -> memref<512x32xf32, #tpu.memory_space<vmem>>
        %dma_start3A_664 = arith.constant 64 : i32
        %dma_start3A_665 = tpu.memref_slice %arg4[%add3A_350, %dma_start3A_664] : memref<819200x128xf32, #tpu.memory_space<hbm>> -> memref<512x32xf32, #tpu.memory_space<hbm>>
        %dma_start3A_666 = arith.constant 64 : i32
        %dma_start3A_667 = tpu.memref_slice %arg4[%add3A_350, %dma_start3A_666] : memref<819200x128xf32, #tpu.memory_space<hbm>> -> memref<512x32xf32, #tpu.memory_space<hbm>>
        %dma_start3A_668 = arith.constant 0 : i32
        %dma_start3A_669 = arith.constant 0 : i32
        %dma_start3A_670 = tpu.memref_slice %arg6[%dma_start3A_659, %dma_start3A_668, %dma_start3A_669] : memref<4x512x32xf32, #tpu.memory_space<vmem>> -> memref<1x512x32xf32, #tpu.memory_space<vmem>>
        %dma_start3A_671 = tpu.memref_squeeze %dma_start3A_670 : memref<1x512x32xf32, #tpu.memory_space<vmem>> -> memref<512x32xf32, #tpu.memory_space<vmem>>
        tpu.enqueue_dma source(%dma_start3A_671 : memref<512x32xf32, #tpu.memory_space<vmem>>) target(%dma_start3A_667 : memref<512x32xf32, #tpu.memory_space<hbm>>) target_semaphore(%arg12 : memref<!tpu.dma_semaphore, #tpu.memory_space<semaphore_mem>>)
      } else {
      }
      %eq3A_382 = arith.constant 3 : i32
      %eq3A_383 = arith.cmpi eq, %select_n3A_366, %eq3A_382 : i32
      %convert_element_type3A_384 = arith.extui %eq3A_383 : i1 to i32
      %cond3A_385 = arith.constant 0 : i32
      %cond3A_386 = arith.cmpi ne, %convert_element_type3A_384, %cond3A_385 : i32
      scf.if %cond3A_386 {
        %dma_start3A_659 = arith.constant 1 : i32
        %dma_start3A_660 = arith.constant 0 : i32
        %dma_start3A_661 = arith.constant 0 : i32
        %dma_start3A_662 = tpu.memref_slice %arg6[%dma_start3A_659, %dma_start3A_660, %dma_start3A_661] : memref<4x512x32xf32, #tpu.memory_space<vmem>> -> memref<1x512x32xf32, #tpu.memory_space<vmem>>
        %dma_start3A_663 = tpu.memref_squeeze %dma_start3A_662 : memref<1x512x32xf32, #tpu.memory_space<vmem>> -> memref<512x32xf32, #tpu.memory_space<vmem>>
        %dma_start3A_664 = arith.constant 96 : i32
        %dma_start3A_665 = tpu.memref_slice %arg4[%add3A_350, %dma_start3A_664] : memref<819200x128xf32, #tpu.memory_space<hbm>> -> memref<512x32xf32, #tpu.memory_space<hbm>>
        %dma_start3A_666 = arith.constant 96 : i32
        %dma_start3A_667 = tpu.memref_slice %arg4[%add3A_350, %dma_start3A_666] : memref<819200x128xf32, #tpu.memory_space<hbm>> -> memref<512x32xf32, #tpu.memory_space<hbm>>
        %dma_start3A_668 = arith.constant 0 : i32
        %dma_start3A_669 = arith.constant 0 : i32
        %dma_start3A_670 = tpu.memref_slice %arg6[%dma_start3A_659, %dma_start3A_668, %dma_start3A_669] : memref<4x512x32xf32, #tpu.memory_space<vmem>> -> memref<1x512x32xf32, #tpu.memory_space<vmem>>
        %dma_start3A_671 = tpu.memref_squeeze %dma_start3A_670 : memref<1x512x32xf32, #tpu.memory_space<vmem>> -> memref<512x32xf32, #tpu.memory_space<vmem>>
        tpu.enqueue_dma source(%dma_start3A_671 : memref<512x32xf32, #tpu.memory_space<vmem>>) target(%dma_start3A_667 : memref<512x32xf32, #tpu.memory_space<hbm>>) target_semaphore(%arg12 : memref<!tpu.dma_semaphore, #tpu.memory_space<semaphore_mem>>)
      } else {
      }
      %mul3A_387 = arith.constant 4 : i32
      %mul3A_388 = arith.muli %scan3A_126, %mul3A_387 : i32
      %add3A_389 = arith.constant 2 : i32
      %add3A_390 = arith.addi %mul3A_388, %add3A_389 : i32
      %add3A_391 = arith.constant 2 : i32
      %add3A_392 = arith.addi %add3A_390, %add3A_391 : i32
      %add3A_393 = arith.constant 2 : i32
      %add3A_394 = arith.addi %add3A_390, %add3A_393 : i32
      %add3A_395 = arith.constant 1 : i32
      %add3A_396 = arith.addi %add3A_394, %add3A_395 : i32
      %lt3A_397 = arith.constant 200 : i32
      %lt3A_398 = arith.cmpi slt, %add3A_396, %lt3A_397 : i32
      %convert_element_type3A_399 = arith.extui %lt3A_398 : i1 to i32
      %cond3A_400 = arith.constant 0 : i32
      %cond3A_401 = arith.cmpi ne, %convert_element_type3A_399, %cond3A_400 : i32
      scf.if %cond3A_401 {
        %add3A_659 = arith.constant 2 : i32
        %add3A_660 = arith.addi %add3A_390, %add3A_659 : i32
        %add3A_661 = arith.constant 1 : i32
        %add3A_662 = arith.addi %add3A_660, %add3A_661 : i32
        %mul3A_663 = arith.constant 512 : i32
        %mul3A_664 = arith.muli %add3A_662, %mul3A_663 : i32
        %add3A_665 = arith.addi %mul3A_2, %mul3A_664 : i32
        %dma_start3A_666 = arith.constant 512 : i32
        %dma_start3A_667 = tpu.memref_slice %arg5[%dma_start3A_666] : memref<2048xi32, #tpu.memory_space<vmem>> -> memref<512xi32, #tpu.memory_space<vmem>>
        %dma_start3A_668 = tpu.memref_slice %arg2[%add3A_665] : memref<3276800xi32, #tpu.memory_space<hbm>> -> memref<512xi32, #tpu.memory_space<hbm>>
        %dma_start3A_669 = arith.constant 512 : i32
        %dma_start3A_670 = tpu.memref_slice %arg5[%dma_start3A_669] : memref<2048xi32, #tpu.memory_space<vmem>> -> memref<512xi32, #tpu.memory_space<vmem>>
        %dma_start3A_671 = tpu.memref_slice %arg2[%add3A_665] : memref<3276800xi32, #tpu.memory_space<hbm>> -> memref<512xi32, #tpu.memory_space<hbm>>
        tpu.enqueue_dma source(%dma_start3A_671 : memref<512xi32, #tpu.memory_space<hbm>>) target(%dma_start3A_670 : memref<512xi32, #tpu.memory_space<vmem>>) target_semaphore(%arg16 : memref<!tpu.dma_semaphore, #tpu.memory_space<semaphore_mem>>)
      } else {
      }
      %lt3A_402 = arith.constant 200 : i32
      %lt3A_403 = arith.cmpi slt, %add3A_392, %lt3A_402 : i32
      %convert_element_type3A_404 = arith.extui %lt3A_403 : i1 to i32
      %cond3A_405 = arith.constant 0 : i32
      %cond3A_406 = arith.cmpi ne, %convert_element_type3A_404, %cond3A_405 : i32
      scf.if %cond3A_406 {
        %ge3A = arith.constant 4 : i32
        %ge3A_659 = arith.cmpi sge, %add3A_392, %ge3A : i32
        %convert_element_type3A_660 = arith.extui %ge3A_659 : i1 to i32
        %cond3A_661 = arith.constant 0 : i32
        %cond3A_662 = arith.cmpi ne, %convert_element_type3A_660, %cond3A_661 : i32
        scf.if %cond3A_662 {
          %dma_wait3A_682 = arith.constant 0 : i32
          %dma_wait3A_683 = arith.constant 0 : i32
          %dma_wait3A_684 = arith.constant 0 : i32
          %dma_wait3A_685 = tpu.memref_slice %arg6[%dma_wait3A_682, %dma_wait3A_683, %dma_wait3A_684] : memref<4x512x32xf32, #tpu.memory_space<vmem>> -> memref<1x512x32xf32, #tpu.memory_space<vmem>>
          %dma_wait3A_686 = tpu.memref_squeeze %dma_wait3A_685 : memref<1x512x32xf32, #tpu.memory_space<vmem>> -> memref<512x32xf32, #tpu.memory_space<vmem>>
          %dma_wait3A_687 = arith.constant 0 : i32
          %dma_wait3A_688 = arith.constant 0 : i32
          %dma_wait3A_689 = tpu.memref_slice %arg4[%dma_wait3A_687, %dma_wait3A_688] : memref<819200x128xf32, #tpu.memory_space<hbm>> -> memref<512x32xf32, #tpu.memory_space<hbm>>
          %dma_wait3A_690 = arith.constant 0 : i32
          %dma_wait3A_691 = arith.constant 0 : i32
          %dma_wait3A_692 = tpu.memref_slice %arg4[%dma_wait3A_690, %dma_wait3A_691] : memref<819200x128xf32, #tpu.memory_space<hbm>> -> memref<512x32xf32, #tpu.memory_space<hbm>>
          %dma_wait3A_693 = arith.constant 0 : i32
          %dma_wait3A_694 = arith.constant 0 : i32
          %dma_wait3A_695 = tpu.memref_slice %arg6[%dma_wait3A_682, %dma_wait3A_693, %dma_wait3A_694] : memref<4x512x32xf32, #tpu.memory_space<vmem>> -> memref<1x512x32xf32, #tpu.memory_space<vmem>>
          %dma_wait3A_696 = tpu.memref_squeeze %dma_wait3A_695 : memref<1x512x32xf32, #tpu.memory_space<vmem>> -> memref<512x32xf32, #tpu.memory_space<vmem>>
          tpu.wait_dma2 semaphore(%arg11 : memref<!tpu.dma_semaphore, #tpu.memory_space<semaphore_mem>>) src(%dma_wait3A_696 : memref<512x32xf32, #tpu.memory_space<vmem>>) dst(%dma_wait3A_692 : memref<512x32xf32, #tpu.memory_space<hbm>>)
        } else {
        }
        %mul3A_663 = arith.constant 512 : i32
        %mul3A_664 = arith.muli %add3A_392, %mul3A_663 : i32
        %add3A_665 = arith.addi %mul3A_2, %mul3A_664 : i32
        %dma_wait3A_666 = arith.constant 0 : i32
        %dma_wait3A_667 = tpu.memref_slice %arg5[%dma_wait3A_666] : memref<2048xi32, #tpu.memory_space<vmem>> -> memref<512xi32, #tpu.memory_space<vmem>>
        %dma_wait3A_668 = tpu.memref_slice %arg2[%add3A_665] : memref<3276800xi32, #tpu.memory_space<hbm>> -> memref<512xi32, #tpu.memory_space<hbm>>
        %dma_wait3A_669 = arith.constant 0 : i32
        %dma_wait3A_670 = tpu.memref_slice %arg5[%dma_wait3A_669] : memref<2048xi32, #tpu.memory_space<vmem>> -> memref<512xi32, #tpu.memory_space<vmem>>
        %dma_wait3A_671 = tpu.memref_slice %arg2[%add3A_665] : memref<3276800xi32, #tpu.memory_space<hbm>> -> memref<512xi32, #tpu.memory_space<hbm>>
        tpu.wait_dma2 semaphore(%arg15 : memref<!tpu.dma_semaphore, #tpu.memory_space<semaphore_mem>>) src(%dma_wait3A_671 : memref<512xi32, #tpu.memory_space<hbm>>) dst(%dma_wait3A_670 : memref<512xi32, #tpu.memory_space<vmem>>)
        %dma_start3A_672 = arith.constant 0 : i32
        %dma_start3A_673 = arith.constant 0 : i32
        %dma_start3A_674 = arith.constant 0 : i32
        %dma_start3A_675 = tpu.memref_slice %arg6[%dma_start3A_672, %dma_start3A_673, %dma_start3A_674] : memref<4x512x32xf32, #tpu.memory_space<vmem>> -> memref<1x512x32xf32, #tpu.memory_space<vmem>>
        %dma_start3A_676 = tpu.memref_squeeze %dma_start3A_675 : memref<1x512x32xf32, #tpu.memory_space<vmem>> -> memref<512x32xf32, #tpu.memory_space<vmem>>
        %dma_start3A_677 = arith.constant 0 : i32
        %dma_start3A_678 = tpu.memref_slice %arg5[%dma_start3A_677] : memref<2048xi32, #tpu.memory_space<vmem>> -> memref<512xi32, #tpu.memory_space<vmem>>
        %dma_start3A_679 = arith.constant 0 : i32
        %dma_start3A_680 = arith.constant 0 : i32
        %dma_start3A_681 = tpu.memref_slice %arg3[%dma_start3A_679, %dma_start3A_680] : memref<1000000x32xf32, #tpu.memory_space<hbm>> -> memref<1000000x32xf32, #tpu.memory_space<hbm>>
        tpu.enqueue_indirect_dma source(%dma_start3A_681 : memref<1000000x32xf32, #tpu.memory_space<hbm>>) target(%dma_start3A_676 : memref<512x32xf32, #tpu.memory_space<vmem>>) offsets(%dma_start3A_678 : memref<512xi32, #tpu.memory_space<vmem>>) semaphore(%arg7 : memref<!tpu.dma_semaphore, #tpu.memory_space<semaphore_mem>>)
      } else {
      }
      %dma_wait3A_407 = arith.constant 2 : i32
      %dma_wait3A_408 = arith.constant 0 : i32
      %dma_wait3A_409 = arith.constant 0 : i32
      %dma_wait3A_410 = tpu.memref_slice %arg6[%dma_wait3A_407, %dma_wait3A_408, %dma_wait3A_409] : memref<4x512x32xf32, #tpu.memory_space<vmem>> -> memref<1x512x32xf32, #tpu.memory_space<vmem>>
      %dma_wait3A_411 = tpu.memref_squeeze %dma_wait3A_410 : memref<1x512x32xf32, #tpu.memory_space<vmem>> -> memref<512x32xf32, #tpu.memory_space<vmem>>
      %dma_wait3A_412 = arith.constant 1024 : i32
      %dma_wait3A_413 = tpu.memref_slice %arg5[%dma_wait3A_412] : memref<2048xi32, #tpu.memory_space<vmem>> -> memref<512xi32, #tpu.memory_space<vmem>>
      %dma_wait3A_414 = arith.constant 0 : i32
      %dma_wait3A_415 = arith.constant 0 : i32
      %dma_wait3A_416 = tpu.memref_slice %arg3[%dma_wait3A_414, %dma_wait3A_415] : memref<1000000x32xf32, #tpu.memory_space<hbm>> -> memref<1000000x32xf32, #tpu.memory_space<hbm>>
      tpu.wait_indirect_dma semaphore(%arg9 : memref<!tpu.dma_semaphore, #tpu.memory_space<semaphore_mem>>) src(%dma_wait3A_416 : memref<1000000x32xf32, #tpu.memory_space<hbm>>) dst(%dma_wait3A_411 : memref<512x32xf32, #tpu.memory_space<vmem>>)
      %mul3A_417 = arith.constant 512 : i32
      %mul3A_418 = arith.muli %add3A_390, %mul3A_417 : i32
      %add3A_419 = arith.addi %mul3A_2, %mul3A_418 : i32
      %jit3A_420 = arith.constant 16384 : i32
      %div3A_421 = arith.divsi %add3A_419, %jit3A_420 : i32
      %sign3A_422 = arith.constant 0 : i32
      %sign3A_423 = arith.cmpi sgt, %add3A_419, %sign3A_422 : i32
      %sign3A_424 = arith.extui %sign3A_423 : i1 to i32
      %sign3A_425 = arith.constant 0 : i32
      %sign3A_426 = arith.cmpi slt, %add3A_419, %sign3A_425 : i32
      %sign3A_427 = arith.extui %sign3A_426 : i1 to i32
      %sign3A_428 = arith.subi %sign3A_424, %sign3A_427 : i32
      %sign3A_429 = arith.constant 0 : i32
      %sign3A_430 = arith.cmpi sgt, %jit3A_420, %sign3A_429 : i32
      %sign3A_431 = arith.extui %sign3A_430 : i1 to i32
      %sign3A_432 = arith.constant 0 : i32
      %sign3A_433 = arith.cmpi slt, %jit3A_420, %sign3A_432 : i32
      %sign3A_434 = arith.extui %sign3A_433 : i1 to i32
      %sign3A_435 = arith.subi %sign3A_431, %sign3A_434 : i32
      %ne3A_436 = arith.cmpi ne, %sign3A_428, %sign3A_435 : i32
      %rem3A_437 = arith.remsi %add3A_419, %jit3A_420 : i32
      %ne3A_438 = arith.constant 0 : i32
      %ne3A_439 = arith.cmpi ne, %rem3A_437, %ne3A_438 : i32
      %and3A_440 = arith.andi %ne3A_436, %ne3A_439 : i1
      %sub3A_441 = arith.constant 1 : i32
      %sub3A_442 = arith.subi %div3A_421, %sub3A_441 : i32
      %select_n3A_443 = arith.select %and3A_440, %sub3A_442, %div3A_421 : i32
      %jit3A_444 = arith.constant 4 : i32
      %div3A_445 = arith.divsi %select_n3A_443, %jit3A_444 : i32
      %sign3A_446 = arith.constant 0 : i32
      %sign3A_447 = arith.cmpi sgt, %select_n3A_443, %sign3A_446 : i32
      %sign3A_448 = arith.extui %sign3A_447 : i1 to i32
      %sign3A_449 = arith.constant 0 : i32
      %sign3A_450 = arith.cmpi slt, %select_n3A_443, %sign3A_449 : i32
      %sign3A_451 = arith.extui %sign3A_450 : i1 to i32
      %sign3A_452 = arith.subi %sign3A_448, %sign3A_451 : i32
      %sign3A_453 = arith.constant 0 : i32
      %sign3A_454 = arith.cmpi sgt, %jit3A_444, %sign3A_453 : i32
      %sign3A_455 = arith.extui %sign3A_454 : i1 to i32
      %sign3A_456 = arith.constant 0 : i32
      %sign3A_457 = arith.cmpi slt, %jit3A_444, %sign3A_456 : i32
      %sign3A_458 = arith.extui %sign3A_457 : i1 to i32
      %sign3A_459 = arith.subi %sign3A_455, %sign3A_458 : i32
      %ne3A_460 = arith.cmpi ne, %sign3A_452, %sign3A_459 : i32
      %rem3A_461 = arith.remsi %select_n3A_443, %jit3A_444 : i32
      %ne3A_462 = arith.constant 0 : i32
      %ne3A_463 = arith.cmpi ne, %rem3A_461, %ne3A_462 : i32
      %and3A_464 = arith.andi %ne3A_460, %ne3A_463 : i1
      %sub3A_465 = arith.constant 1 : i32
      %sub3A_466 = arith.subi %div3A_445, %sub3A_465 : i32
      %select_n3A_467 = arith.select %and3A_464, %sub3A_466, %div3A_445 : i32
      %mul3A_468 = arith.constant 16384 : i32
      %mul3A_469 = arith.muli %select_n3A_467, %mul3A_468 : i32
      %jit3A_470 = arith.constant 16384 : i32
      %eq3A_471 = arith.constant 0 : i32
      %eq3A_472 = arith.cmpi eq, %jit3A_470, %eq3A_471 : i32
      %jit3A_473 = arith.constant 1 : i32
      %select_n3A_474 = arith.select %eq3A_472, %jit3A_473, %jit3A_470 : i32
      %rem3A_475 = arith.remsi %add3A_419, %select_n3A_474 : i32
      %ne3A_476 = arith.constant 0 : i32
      %ne3A_477 = arith.cmpi ne, %rem3A_475, %ne3A_476 : i32
      %lt3A_478 = arith.constant 0 : i32
      %lt3A_479 = arith.cmpi slt, %rem3A_475, %lt3A_478 : i32
      %lt3A_480 = arith.constant 0 : i32
      %lt3A_481 = arith.cmpi slt, %select_n3A_474, %lt3A_480 : i32
      %ne3A_482 = arith.xori %lt3A_479, %lt3A_481 : i1
      %and3A_483 = arith.andi %ne3A_482, %ne3A_477 : i1
      %add3A_484 = arith.addi %rem3A_475, %select_n3A_474 : i32
      %select_n3A_485 = arith.select %and3A_483, %add3A_484, %rem3A_475 : i32
      %add3A_486 = arith.addi %mul3A_469, %select_n3A_485 : i32
      %jit3A_487 = arith.constant 4 : i32
      %eq3A_488 = arith.constant 0 : i32
      %eq3A_489 = arith.cmpi eq, %jit3A_487, %eq3A_488 : i32
      %jit3A_490 = arith.constant 1 : i32
      %select_n3A_491 = arith.select %eq3A_489, %jit3A_490, %jit3A_487 : i32
      %rem3A_492 = arith.remsi %select_n3A_443, %select_n3A_491 : i32
      %ne3A_493 = arith.constant 0 : i32
      %ne3A_494 = arith.cmpi ne, %rem3A_492, %ne3A_493 : i32
      %lt3A_495 = arith.constant 0 : i32
      %lt3A_496 = arith.cmpi slt, %rem3A_492, %lt3A_495 : i32
      %lt3A_497 = arith.constant 0 : i32
      %lt3A_498 = arith.cmpi slt, %select_n3A_491, %lt3A_497 : i32
      %ne3A_499 = arith.xori %lt3A_496, %lt3A_498 : i1
      %and3A_500 = arith.andi %ne3A_499, %ne3A_494 : i1
      %add3A_501 = arith.addi %rem3A_492, %select_n3A_491 : i32
      %select_n3A_502 = arith.select %and3A_500, %add3A_501, %rem3A_492 : i32
      %eq3A_503 = arith.constant 0 : i32
      %eq3A_504 = arith.cmpi eq, %select_n3A_502, %eq3A_503 : i32
      %convert_element_type3A_505 = arith.extui %eq3A_504 : i1 to i32
      %cond3A_506 = arith.constant 0 : i32
      %cond3A_507 = arith.cmpi ne, %convert_element_type3A_505, %cond3A_506 : i32
      scf.if %cond3A_507 {
        %dma_start3A_659 = arith.constant 2 : i32
        %dma_start3A_660 = arith.constant 0 : i32
        %dma_start3A_661 = arith.constant 0 : i32
        %dma_start3A_662 = tpu.memref_slice %arg6[%dma_start3A_659, %dma_start3A_660, %dma_start3A_661] : memref<4x512x32xf32, #tpu.memory_space<vmem>> -> memref<1x512x32xf32, #tpu.memory_space<vmem>>
        %dma_start3A_663 = tpu.memref_squeeze %dma_start3A_662 : memref<1x512x32xf32, #tpu.memory_space<vmem>> -> memref<512x32xf32, #tpu.memory_space<vmem>>
        %dma_start3A_664 = arith.constant 0 : i32
        %dma_start3A_665 = tpu.memref_slice %arg4[%add3A_486, %dma_start3A_664] : memref<819200x128xf32, #tpu.memory_space<hbm>> -> memref<512x32xf32, #tpu.memory_space<hbm>>
        %dma_start3A_666 = arith.constant 0 : i32
        %dma_start3A_667 = tpu.memref_slice %arg4[%add3A_486, %dma_start3A_666] : memref<819200x128xf32, #tpu.memory_space<hbm>> -> memref<512x32xf32, #tpu.memory_space<hbm>>
        %dma_start3A_668 = arith.constant 0 : i32
        %dma_start3A_669 = arith.constant 0 : i32
        %dma_start3A_670 = tpu.memref_slice %arg6[%dma_start3A_659, %dma_start3A_668, %dma_start3A_669] : memref<4x512x32xf32, #tpu.memory_space<vmem>> -> memref<1x512x32xf32, #tpu.memory_space<vmem>>
        %dma_start3A_671 = tpu.memref_squeeze %dma_start3A_670 : memref<1x512x32xf32, #tpu.memory_space<vmem>> -> memref<512x32xf32, #tpu.memory_space<vmem>>
        tpu.enqueue_dma source(%dma_start3A_671 : memref<512x32xf32, #tpu.memory_space<vmem>>) target(%dma_start3A_667 : memref<512x32xf32, #tpu.memory_space<hbm>>) target_semaphore(%arg13 : memref<!tpu.dma_semaphore, #tpu.memory_space<semaphore_mem>>)
      } else {
      }
      %eq3A_508 = arith.constant 1 : i32
      %eq3A_509 = arith.cmpi eq, %select_n3A_502, %eq3A_508 : i32
      %convert_element_type3A_510 = arith.extui %eq3A_509 : i1 to i32
      %cond3A_511 = arith.constant 0 : i32
      %cond3A_512 = arith.cmpi ne, %convert_element_type3A_510, %cond3A_511 : i32
      scf.if %cond3A_512 {
        %dma_start3A_659 = arith.constant 2 : i32
        %dma_start3A_660 = arith.constant 0 : i32
        %dma_start3A_661 = arith.constant 0 : i32
        %dma_start3A_662 = tpu.memref_slice %arg6[%dma_start3A_659, %dma_start3A_660, %dma_start3A_661] : memref<4x512x32xf32, #tpu.memory_space<vmem>> -> memref<1x512x32xf32, #tpu.memory_space<vmem>>
        %dma_start3A_663 = tpu.memref_squeeze %dma_start3A_662 : memref<1x512x32xf32, #tpu.memory_space<vmem>> -> memref<512x32xf32, #tpu.memory_space<vmem>>
        %dma_start3A_664 = arith.constant 32 : i32
        %dma_start3A_665 = tpu.memref_slice %arg4[%add3A_486, %dma_start3A_664] : memref<819200x128xf32, #tpu.memory_space<hbm>> -> memref<512x32xf32, #tpu.memory_space<hbm>>
        %dma_start3A_666 = arith.constant 32 : i32
        %dma_start3A_667 = tpu.memref_slice %arg4[%add3A_486, %dma_start3A_666] : memref<819200x128xf32, #tpu.memory_space<hbm>> -> memref<512x32xf32, #tpu.memory_space<hbm>>
        %dma_start3A_668 = arith.constant 0 : i32
        %dma_start3A_669 = arith.constant 0 : i32
        %dma_start3A_670 = tpu.memref_slice %arg6[%dma_start3A_659, %dma_start3A_668, %dma_start3A_669] : memref<4x512x32xf32, #tpu.memory_space<vmem>> -> memref<1x512x32xf32, #tpu.memory_space<vmem>>
        %dma_start3A_671 = tpu.memref_squeeze %dma_start3A_670 : memref<1x512x32xf32, #tpu.memory_space<vmem>> -> memref<512x32xf32, #tpu.memory_space<vmem>>
        tpu.enqueue_dma source(%dma_start3A_671 : memref<512x32xf32, #tpu.memory_space<vmem>>) target(%dma_start3A_667 : memref<512x32xf32, #tpu.memory_space<hbm>>) target_semaphore(%arg13 : memref<!tpu.dma_semaphore, #tpu.memory_space<semaphore_mem>>)
      } else {
      }
      %eq3A_513 = arith.constant 2 : i32
      %eq3A_514 = arith.cmpi eq, %select_n3A_502, %eq3A_513 : i32
      %convert_element_type3A_515 = arith.extui %eq3A_514 : i1 to i32
      %cond3A_516 = arith.constant 0 : i32
      %cond3A_517 = arith.cmpi ne, %convert_element_type3A_515, %cond3A_516 : i32
      scf.if %cond3A_517 {
        %dma_start3A_659 = arith.constant 2 : i32
        %dma_start3A_660 = arith.constant 0 : i32
        %dma_start3A_661 = arith.constant 0 : i32
        %dma_start3A_662 = tpu.memref_slice %arg6[%dma_start3A_659, %dma_start3A_660, %dma_start3A_661] : memref<4x512x32xf32, #tpu.memory_space<vmem>> -> memref<1x512x32xf32, #tpu.memory_space<vmem>>
        %dma_start3A_663 = tpu.memref_squeeze %dma_start3A_662 : memref<1x512x32xf32, #tpu.memory_space<vmem>> -> memref<512x32xf32, #tpu.memory_space<vmem>>
        %dma_start3A_664 = arith.constant 64 : i32
        %dma_start3A_665 = tpu.memref_slice %arg4[%add3A_486, %dma_start3A_664] : memref<819200x128xf32, #tpu.memory_space<hbm>> -> memref<512x32xf32, #tpu.memory_space<hbm>>
        %dma_start3A_666 = arith.constant 64 : i32
        %dma_start3A_667 = tpu.memref_slice %arg4[%add3A_486, %dma_start3A_666] : memref<819200x128xf32, #tpu.memory_space<hbm>> -> memref<512x32xf32, #tpu.memory_space<hbm>>
        %dma_start3A_668 = arith.constant 0 : i32
        %dma_start3A_669 = arith.constant 0 : i32
        %dma_start3A_670 = tpu.memref_slice %arg6[%dma_start3A_659, %dma_start3A_668, %dma_start3A_669] : memref<4x512x32xf32, #tpu.memory_space<vmem>> -> memref<1x512x32xf32, #tpu.memory_space<vmem>>
        %dma_start3A_671 = tpu.memref_squeeze %dma_start3A_670 : memref<1x512x32xf32, #tpu.memory_space<vmem>> -> memref<512x32xf32, #tpu.memory_space<vmem>>
        tpu.enqueue_dma source(%dma_start3A_671 : memref<512x32xf32, #tpu.memory_space<vmem>>) target(%dma_start3A_667 : memref<512x32xf32, #tpu.memory_space<hbm>>) target_semaphore(%arg13 : memref<!tpu.dma_semaphore, #tpu.memory_space<semaphore_mem>>)
      } else {
      }
      %eq3A_518 = arith.constant 3 : i32
      %eq3A_519 = arith.cmpi eq, %select_n3A_502, %eq3A_518 : i32
      %convert_element_type3A_520 = arith.extui %eq3A_519 : i1 to i32
      %cond3A_521 = arith.constant 0 : i32
      %cond3A_522 = arith.cmpi ne, %convert_element_type3A_520, %cond3A_521 : i32
      scf.if %cond3A_522 {
        %dma_start3A_659 = arith.constant 2 : i32
        %dma_start3A_660 = arith.constant 0 : i32
        %dma_start3A_661 = arith.constant 0 : i32
        %dma_start3A_662 = tpu.memref_slice %arg6[%dma_start3A_659, %dma_start3A_660, %dma_start3A_661] : memref<4x512x32xf32, #tpu.memory_space<vmem>> -> memref<1x512x32xf32, #tpu.memory_space<vmem>>
        %dma_start3A_663 = tpu.memref_squeeze %dma_start3A_662 : memref<1x512x32xf32, #tpu.memory_space<vmem>> -> memref<512x32xf32, #tpu.memory_space<vmem>>
        %dma_start3A_664 = arith.constant 96 : i32
        %dma_start3A_665 = tpu.memref_slice %arg4[%add3A_486, %dma_start3A_664] : memref<819200x128xf32, #tpu.memory_space<hbm>> -> memref<512x32xf32, #tpu.memory_space<hbm>>
        %dma_start3A_666 = arith.constant 96 : i32
        %dma_start3A_667 = tpu.memref_slice %arg4[%add3A_486, %dma_start3A_666] : memref<819200x128xf32, #tpu.memory_space<hbm>> -> memref<512x32xf32, #tpu.memory_space<hbm>>
        %dma_start3A_668 = arith.constant 0 : i32
        %dma_start3A_669 = arith.constant 0 : i32
        %dma_start3A_670 = tpu.memref_slice %arg6[%dma_start3A_659, %dma_start3A_668, %dma_start3A_669] : memref<4x512x32xf32, #tpu.memory_space<vmem>> -> memref<1x512x32xf32, #tpu.memory_space<vmem>>
        %dma_start3A_671 = tpu.memref_squeeze %dma_start3A_670 : memref<1x512x32xf32, #tpu.memory_space<vmem>> -> memref<512x32xf32, #tpu.memory_space<vmem>>
        tpu.enqueue_dma source(%dma_start3A_671 : memref<512x32xf32, #tpu.memory_space<vmem>>) target(%dma_start3A_667 : memref<512x32xf32, #tpu.memory_space<hbm>>) target_semaphore(%arg13 : memref<!tpu.dma_semaphore, #tpu.memory_space<semaphore_mem>>)
      } else {
      }
      %mul3A_523 = arith.constant 4 : i32
      %mul3A_524 = arith.muli %scan3A_126, %mul3A_523 : i32
      %add3A_525 = arith.constant 3 : i32
      %add3A_526 = arith.addi %mul3A_524, %add3A_525 : i32
      %add3A_527 = arith.constant 2 : i32
      %add3A_528 = arith.addi %add3A_526, %add3A_527 : i32
      %add3A_529 = arith.constant 2 : i32
      %add3A_530 = arith.addi %add3A_526, %add3A_529 : i32
      %add3A_531 = arith.constant 1 : i32
      %add3A_532 = arith.addi %add3A_530, %add3A_531 : i32
      %lt3A_533 = arith.constant 200 : i32
      %lt3A_534 = arith.cmpi slt, %add3A_532, %lt3A_533 : i32
      %convert_element_type3A_535 = arith.extui %lt3A_534 : i1 to i32
      %cond3A_536 = arith.constant 0 : i32
      %cond3A_537 = arith.cmpi ne, %convert_element_type3A_535, %cond3A_536 : i32
      scf.if %cond3A_537 {
        %add3A_659 = arith.constant 2 : i32
        %add3A_660 = arith.addi %add3A_526, %add3A_659 : i32
        %add3A_661 = arith.constant 1 : i32
        %add3A_662 = arith.addi %add3A_660, %add3A_661 : i32
        %mul3A_663 = arith.constant 512 : i32
        %mul3A_664 = arith.muli %add3A_662, %mul3A_663 : i32
        %add3A_665 = arith.addi %mul3A_2, %mul3A_664 : i32
        %dma_start3A_666 = arith.constant 1024 : i32
        %dma_start3A_667 = tpu.memref_slice %arg5[%dma_start3A_666] : memref<2048xi32, #tpu.memory_space<vmem>> -> memref<512xi32, #tpu.memory_space<vmem>>
        %dma_start3A_668 = tpu.memref_slice %arg2[%add3A_665] : memref<3276800xi32, #tpu.memory_space<hbm>> -> memref<512xi32, #tpu.memory_space<hbm>>
        %dma_start3A_669 = arith.constant 1024 : i32
        %dma_start3A_670 = tpu.memref_slice %arg5[%dma_start3A_669] : memref<2048xi32, #tpu.memory_space<vmem>> -> memref<512xi32, #tpu.memory_space<vmem>>
        %dma_start3A_671 = tpu.memref_slice %arg2[%add3A_665] : memref<3276800xi32, #tpu.memory_space<hbm>> -> memref<512xi32, #tpu.memory_space<hbm>>
        tpu.enqueue_dma source(%dma_start3A_671 : memref<512xi32, #tpu.memory_space<hbm>>) target(%dma_start3A_670 : memref<512xi32, #tpu.memory_space<vmem>>) target_semaphore(%arg17 : memref<!tpu.dma_semaphore, #tpu.memory_space<semaphore_mem>>)
      } else {
      }
      %lt3A_538 = arith.constant 200 : i32
      %lt3A_539 = arith.cmpi slt, %add3A_528, %lt3A_538 : i32
      %convert_element_type3A_540 = arith.extui %lt3A_539 : i1 to i32
      %cond3A_541 = arith.constant 0 : i32
      %cond3A_542 = arith.cmpi ne, %convert_element_type3A_540, %cond3A_541 : i32
      scf.if %cond3A_542 {
        %ge3A = arith.constant 4 : i32
        %ge3A_659 = arith.cmpi sge, %add3A_528, %ge3A : i32
        %convert_element_type3A_660 = arith.extui %ge3A_659 : i1 to i32
        %cond3A_661 = arith.constant 0 : i32
        %cond3A_662 = arith.cmpi ne, %convert_element_type3A_660, %cond3A_661 : i32
        scf.if %cond3A_662 {
          %dma_wait3A_682 = arith.constant 1 : i32
          %dma_wait3A_683 = arith.constant 0 : i32
          %dma_wait3A_684 = arith.constant 0 : i32
          %dma_wait3A_685 = tpu.memref_slice %arg6[%dma_wait3A_682, %dma_wait3A_683, %dma_wait3A_684] : memref<4x512x32xf32, #tpu.memory_space<vmem>> -> memref<1x512x32xf32, #tpu.memory_space<vmem>>
          %dma_wait3A_686 = tpu.memref_squeeze %dma_wait3A_685 : memref<1x512x32xf32, #tpu.memory_space<vmem>> -> memref<512x32xf32, #tpu.memory_space<vmem>>
          %dma_wait3A_687 = arith.constant 0 : i32
          %dma_wait3A_688 = arith.constant 0 : i32
          %dma_wait3A_689 = tpu.memref_slice %arg4[%dma_wait3A_687, %dma_wait3A_688] : memref<819200x128xf32, #tpu.memory_space<hbm>> -> memref<512x32xf32, #tpu.memory_space<hbm>>
          %dma_wait3A_690 = arith.constant 0 : i32
          %dma_wait3A_691 = arith.constant 0 : i32
          %dma_wait3A_692 = tpu.memref_slice %arg4[%dma_wait3A_690, %dma_wait3A_691] : memref<819200x128xf32, #tpu.memory_space<hbm>> -> memref<512x32xf32, #tpu.memory_space<hbm>>
          %dma_wait3A_693 = arith.constant 0 : i32
          %dma_wait3A_694 = arith.constant 0 : i32
          %dma_wait3A_695 = tpu.memref_slice %arg6[%dma_wait3A_682, %dma_wait3A_693, %dma_wait3A_694] : memref<4x512x32xf32, #tpu.memory_space<vmem>> -> memref<1x512x32xf32, #tpu.memory_space<vmem>>
          %dma_wait3A_696 = tpu.memref_squeeze %dma_wait3A_695 : memref<1x512x32xf32, #tpu.memory_space<vmem>> -> memref<512x32xf32, #tpu.memory_space<vmem>>
          tpu.wait_dma2 semaphore(%arg12 : memref<!tpu.dma_semaphore, #tpu.memory_space<semaphore_mem>>) src(%dma_wait3A_696 : memref<512x32xf32, #tpu.memory_space<vmem>>) dst(%dma_wait3A_692 : memref<512x32xf32, #tpu.memory_space<hbm>>)
        } else {
        }
        %mul3A_663 = arith.constant 512 : i32
        %mul3A_664 = arith.muli %add3A_528, %mul3A_663 : i32
        %add3A_665 = arith.addi %mul3A_2, %mul3A_664 : i32
        %dma_wait3A_666 = arith.constant 512 : i32
        %dma_wait3A_667 = tpu.memref_slice %arg5[%dma_wait3A_666] : memref<2048xi32, #tpu.memory_space<vmem>> -> memref<512xi32, #tpu.memory_space<vmem>>
        %dma_wait3A_668 = tpu.memref_slice %arg2[%add3A_665] : memref<3276800xi32, #tpu.memory_space<hbm>> -> memref<512xi32, #tpu.memory_space<hbm>>
        %dma_wait3A_669 = arith.constant 512 : i32
        %dma_wait3A_670 = tpu.memref_slice %arg5[%dma_wait3A_669] : memref<2048xi32, #tpu.memory_space<vmem>> -> memref<512xi32, #tpu.memory_space<vmem>>
        %dma_wait3A_671 = tpu.memref_slice %arg2[%add3A_665] : memref<3276800xi32, #tpu.memory_space<hbm>> -> memref<512xi32, #tpu.memory_space<hbm>>
        tpu.wait_dma2 semaphore(%arg16 : memref<!tpu.dma_semaphore, #tpu.memory_space<semaphore_mem>>) src(%dma_wait3A_671 : memref<512xi32, #tpu.memory_space<hbm>>) dst(%dma_wait3A_670 : memref<512xi32, #tpu.memory_space<vmem>>)
        %dma_start3A_672 = arith.constant 1 : i32
        %dma_start3A_673 = arith.constant 0 : i32
        %dma_start3A_674 = arith.constant 0 : i32
        %dma_start3A_675 = tpu.memref_slice %arg6[%dma_start3A_672, %dma_start3A_673, %dma_start3A_674] : memref<4x512x32xf32, #tpu.memory_space<vmem>> -> memref<1x512x32xf32, #tpu.memory_space<vmem>>
        %dma_start3A_676 = tpu.memref_squeeze %dma_start3A_675 : memref<1x512x32xf32, #tpu.memory_space<vmem>> -> memref<512x32xf32, #tpu.memory_space<vmem>>
        %dma_start3A_677 = arith.constant 512 : i32
        %dma_start3A_678 = tpu.memref_slice %arg5[%dma_start3A_677] : memref<2048xi32, #tpu.memory_space<vmem>> -> memref<512xi32, #tpu.memory_space<vmem>>
        %dma_start3A_679 = arith.constant 0 : i32
        %dma_start3A_680 = arith.constant 0 : i32
        %dma_start3A_681 = tpu.memref_slice %arg3[%dma_start3A_679, %dma_start3A_680] : memref<1000000x32xf32, #tpu.memory_space<hbm>> -> memref<1000000x32xf32, #tpu.memory_space<hbm>>
        tpu.enqueue_indirect_dma source(%dma_start3A_681 : memref<1000000x32xf32, #tpu.memory_space<hbm>>) target(%dma_start3A_676 : memref<512x32xf32, #tpu.memory_space<vmem>>) offsets(%dma_start3A_678 : memref<512xi32, #tpu.memory_space<vmem>>) semaphore(%arg8 : memref<!tpu.dma_semaphore, #tpu.memory_space<semaphore_mem>>)
      } else {
      }
      %dma_wait3A_543 = arith.constant 3 : i32
      %dma_wait3A_544 = arith.constant 0 : i32
      %dma_wait3A_545 = arith.constant 0 : i32
      %dma_wait3A_546 = tpu.memref_slice %arg6[%dma_wait3A_543, %dma_wait3A_544, %dma_wait3A_545] : memref<4x512x32xf32, #tpu.memory_space<vmem>> -> memref<1x512x32xf32, #tpu.memory_space<vmem>>
      %dma_wait3A_547 = tpu.memref_squeeze %dma_wait3A_546 : memref<1x512x32xf32, #tpu.memory_space<vmem>> -> memref<512x32xf32, #tpu.memory_space<vmem>>
      %dma_wait3A_548 = arith.constant 1536 : i32
      %dma_wait3A_549 = tpu.memref_slice %arg5[%dma_wait3A_548] : memref<2048xi32, #tpu.memory_space<vmem>> -> memref<512xi32, #tpu.memory_space<vmem>>
      %dma_wait3A_550 = arith.constant 0 : i32
      %dma_wait3A_551 = arith.constant 0 : i32
      %dma_wait3A_552 = tpu.memref_slice %arg3[%dma_wait3A_550, %dma_wait3A_551] : memref<1000000x32xf32, #tpu.memory_space<hbm>> -> memref<1000000x32xf32, #tpu.memory_space<hbm>>
      tpu.wait_indirect_dma semaphore(%arg10 : memref<!tpu.dma_semaphore, #tpu.memory_space<semaphore_mem>>) src(%dma_wait3A_552 : memref<1000000x32xf32, #tpu.memory_space<hbm>>) dst(%dma_wait3A_547 : memref<512x32xf32, #tpu.memory_space<vmem>>)
      %mul3A_553 = arith.constant 512 : i32
      %mul3A_554 = arith.muli %add3A_526, %mul3A_553 : i32
      %add3A_555 = arith.addi %mul3A_2, %mul3A_554 : i32
      %jit3A_556 = arith.constant 16384 : i32
      %div3A_557 = arith.divsi %add3A_555, %jit3A_556 : i32
      %sign3A_558 = arith.constant 0 : i32
      %sign3A_559 = arith.cmpi sgt, %add3A_555, %sign3A_558 : i32
      %sign3A_560 = arith.extui %sign3A_559 : i1 to i32
      %sign3A_561 = arith.constant 0 : i32
      %sign3A_562 = arith.cmpi slt, %add3A_555, %sign3A_561 : i32
      %sign3A_563 = arith.extui %sign3A_562 : i1 to i32
      %sign3A_564 = arith.subi %sign3A_560, %sign3A_563 : i32
      %sign3A_565 = arith.constant 0 : i32
      %sign3A_566 = arith.cmpi sgt, %jit3A_556, %sign3A_565 : i32
      %sign3A_567 = arith.extui %sign3A_566 : i1 to i32
      %sign3A_568 = arith.constant 0 : i32
      %sign3A_569 = arith.cmpi slt, %jit3A_556, %sign3A_568 : i32
      %sign3A_570 = arith.extui %sign3A_569 : i1 to i32
      %sign3A_571 = arith.subi %sign3A_567, %sign3A_570 : i32
      %ne3A_572 = arith.cmpi ne, %sign3A_564, %sign3A_571 : i32
      %rem3A_573 = arith.remsi %add3A_555, %jit3A_556 : i32
      %ne3A_574 = arith.constant 0 : i32
      %ne3A_575 = arith.cmpi ne, %rem3A_573, %ne3A_574 : i32
      %and3A_576 = arith.andi %ne3A_572, %ne3A_575 : i1
      %sub3A_577 = arith.constant 1 : i32
      %sub3A_578 = arith.subi %div3A_557, %sub3A_577 : i32
      %select_n3A_579 = arith.select %and3A_576, %sub3A_578, %div3A_557 : i32
      %jit3A_580 = arith.constant 4 : i32
      %div3A_581 = arith.divsi %select_n3A_579, %jit3A_580 : i32
      %sign3A_582 = arith.constant 0 : i32
      %sign3A_583 = arith.cmpi sgt, %select_n3A_579, %sign3A_582 : i32
      %sign3A_584 = arith.extui %sign3A_583 : i1 to i32
      %sign3A_585 = arith.constant 0 : i32
      %sign3A_586 = arith.cmpi slt, %select_n3A_579, %sign3A_585 : i32
      %sign3A_587 = arith.extui %sign3A_586 : i1 to i32
      %sign3A_588 = arith.subi %sign3A_584, %sign3A_587 : i32
      %sign3A_589 = arith.constant 0 : i32
      %sign3A_590 = arith.cmpi sgt, %jit3A_580, %sign3A_589 : i32
      %sign3A_591 = arith.extui %sign3A_590 : i1 to i32
      %sign3A_592 = arith.constant 0 : i32
      %sign3A_593 = arith.cmpi slt, %jit3A_580, %sign3A_592 : i32
      %sign3A_594 = arith.extui %sign3A_593 : i1 to i32
      %sign3A_595 = arith.subi %sign3A_591, %sign3A_594 : i32
      %ne3A_596 = arith.cmpi ne, %sign3A_588, %sign3A_595 : i32
      %rem3A_597 = arith.remsi %select_n3A_579, %jit3A_580 : i32
      %ne3A_598 = arith.constant 0 : i32
      %ne3A_599 = arith.cmpi ne, %rem3A_597, %ne3A_598 : i32
      %and3A_600 = arith.andi %ne3A_596, %ne3A_599 : i1
      %sub3A_601 = arith.constant 1 : i32
      %sub3A_602 = arith.subi %div3A_581, %sub3A_601 : i32
      %select_n3A_603 = arith.select %and3A_600, %sub3A_602, %div3A_581 : i32
      %mul3A_604 = arith.constant 16384 : i32
      %mul3A_605 = arith.muli %select_n3A_603, %mul3A_604 : i32
      %jit3A_606 = arith.constant 16384 : i32
      %eq3A_607 = arith.constant 0 : i32
      %eq3A_608 = arith.cmpi eq, %jit3A_606, %eq3A_607 : i32
      %jit3A_609 = arith.constant 1 : i32
      %select_n3A_610 = arith.select %eq3A_608, %jit3A_609, %jit3A_606 : i32
      %rem3A_611 = arith.remsi %add3A_555, %select_n3A_610 : i32
      %ne3A_612 = arith.constant 0 : i32
      %ne3A_613 = arith.cmpi ne, %rem3A_611, %ne3A_612 : i32
      %lt3A_614 = arith.constant 0 : i32
      %lt3A_615 = arith.cmpi slt, %rem3A_611, %lt3A_614 : i32
      %lt3A_616 = arith.constant 0 : i32
      %lt3A_617 = arith.cmpi slt, %select_n3A_610, %lt3A_616 : i32
      %ne3A_618 = arith.xori %lt3A_615, %lt3A_617 : i1
      %and3A_619 = arith.andi %ne3A_618, %ne3A_613 : i1
      %add3A_620 = arith.addi %rem3A_611, %select_n3A_610 : i32
      %select_n3A_621 = arith.select %and3A_619, %add3A_620, %rem3A_611 : i32
      %add3A_622 = arith.addi %mul3A_605, %select_n3A_621 : i32
      %jit3A_623 = arith.constant 4 : i32
      %eq3A_624 = arith.constant 0 : i32
      %eq3A_625 = arith.cmpi eq, %jit3A_623, %eq3A_624 : i32
      %jit3A_626 = arith.constant 1 : i32
      %select_n3A_627 = arith.select %eq3A_625, %jit3A_626, %jit3A_623 : i32
      %rem3A_628 = arith.remsi %select_n3A_579, %select_n3A_627 : i32
      %ne3A_629 = arith.constant 0 : i32
      %ne3A_630 = arith.cmpi ne, %rem3A_628, %ne3A_629 : i32
      %lt3A_631 = arith.constant 0 : i32
      %lt3A_632 = arith.cmpi slt, %rem3A_628, %lt3A_631 : i32
      %lt3A_633 = arith.constant 0 : i32
      %lt3A_634 = arith.cmpi slt, %select_n3A_627, %lt3A_633 : i32
      %ne3A_635 = arith.xori %lt3A_632, %lt3A_634 : i1
      %and3A_636 = arith.andi %ne3A_635, %ne3A_630 : i1
      %add3A_637 = arith.addi %rem3A_628, %select_n3A_627 : i32
      %select_n3A_638 = arith.select %and3A_636, %add3A_637, %rem3A_628 : i32
      %eq3A_639 = arith.constant 0 : i32
      %eq3A_640 = arith.cmpi eq, %select_n3A_638, %eq3A_639 : i32
      %convert_element_type3A_641 = arith.extui %eq3A_640 : i1 to i32
      %cond3A_642 = arith.constant 0 : i32
      %cond3A_643 = arith.cmpi ne, %convert_element_type3A_641, %cond3A_642 : i32
      scf.if %cond3A_643 {
        %dma_start3A_659 = arith.constant 3 : i32
        %dma_start3A_660 = arith.constant 0 : i32
        %dma_start3A_661 = arith.constant 0 : i32
        %dma_start3A_662 = tpu.memref_slice %arg6[%dma_start3A_659, %dma_start3A_660, %dma_start3A_661] : memref<4x512x32xf32, #tpu.memory_space<vmem>> -> memref<1x512x32xf32, #tpu.memory_space<vmem>>
        %dma_start3A_663 = tpu.memref_squeeze %dma_start3A_662 : memref<1x512x32xf32, #tpu.memory_space<vmem>> -> memref<512x32xf32, #tpu.memory_space<vmem>>
        %dma_start3A_664 = arith.constant 0 : i32
        %dma_start3A_665 = tpu.memref_slice %arg4[%add3A_622, %dma_start3A_664] : memref<819200x128xf32, #tpu.memory_space<hbm>> -> memref<512x32xf32, #tpu.memory_space<hbm>>
        %dma_start3A_666 = arith.constant 0 : i32
        %dma_start3A_667 = tpu.memref_slice %arg4[%add3A_622, %dma_start3A_666] : memref<819200x128xf32, #tpu.memory_space<hbm>> -> memref<512x32xf32, #tpu.memory_space<hbm>>
        %dma_start3A_668 = arith.constant 0 : i32
        %dma_start3A_669 = arith.constant 0 : i32
        %dma_start3A_670 = tpu.memref_slice %arg6[%dma_start3A_659, %dma_start3A_668, %dma_start3A_669] : memref<4x512x32xf32, #tpu.memory_space<vmem>> -> memref<1x512x32xf32, #tpu.memory_space<vmem>>
        %dma_start3A_671 = tpu.memref_squeeze %dma_start3A_670 : memref<1x512x32xf32, #tpu.memory_space<vmem>> -> memref<512x32xf32, #tpu.memory_space<vmem>>
        tpu.enqueue_dma source(%dma_start3A_671 : memref<512x32xf32, #tpu.memory_space<vmem>>) target(%dma_start3A_667 : memref<512x32xf32, #tpu.memory_space<hbm>>) target_semaphore(%arg14 : memref<!tpu.dma_semaphore, #tpu.memory_space<semaphore_mem>>)
      } else {
      }
      %eq3A_644 = arith.constant 1 : i32
      %eq3A_645 = arith.cmpi eq, %select_n3A_638, %eq3A_644 : i32
      %convert_element_type3A_646 = arith.extui %eq3A_645 : i1 to i32
      %cond3A_647 = arith.constant 0 : i32
      %cond3A_648 = arith.cmpi ne, %convert_element_type3A_646, %cond3A_647 : i32
      scf.if %cond3A_648 {
        %dma_start3A_659 = arith.constant 3 : i32
        %dma_start3A_660 = arith.constant 0 : i32
        %dma_start3A_661 = arith.constant 0 : i32
        %dma_start3A_662 = tpu.memref_slice %arg6[%dma_start3A_659, %dma_start3A_660, %dma_start3A_661] : memref<4x512x32xf32, #tpu.memory_space<vmem>> -> memref<1x512x32xf32, #tpu.memory_space<vmem>>
        %dma_start3A_663 = tpu.memref_squeeze %dma_start3A_662 : memref<1x512x32xf32, #tpu.memory_space<vmem>> -> memref<512x32xf32, #tpu.memory_space<vmem>>
        %dma_start3A_664 = arith.constant 32 : i32
        %dma_start3A_665 = tpu.memref_slice %arg4[%add3A_622, %dma_start3A_664] : memref<819200x128xf32, #tpu.memory_space<hbm>> -> memref<512x32xf32, #tpu.memory_space<hbm>>
        %dma_start3A_666 = arith.constant 32 : i32
        %dma_start3A_667 = tpu.memref_slice %arg4[%add3A_622, %dma_start3A_666] : memref<819200x128xf32, #tpu.memory_space<hbm>> -> memref<512x32xf32, #tpu.memory_space<hbm>>
        %dma_start3A_668 = arith.constant 0 : i32
        %dma_start3A_669 = arith.constant 0 : i32
        %dma_start3A_670 = tpu.memref_slice %arg6[%dma_start3A_659, %dma_start3A_668, %dma_start3A_669] : memref<4x512x32xf32, #tpu.memory_space<vmem>> -> memref<1x512x32xf32, #tpu.memory_space<vmem>>
        %dma_start3A_671 = tpu.memref_squeeze %dma_start3A_670 : memref<1x512x32xf32, #tpu.memory_space<vmem>> -> memref<512x32xf32, #tpu.memory_space<vmem>>
        tpu.enqueue_dma source(%dma_start3A_671 : memref<512x32xf32, #tpu.memory_space<vmem>>) target(%dma_start3A_667 : memref<512x32xf32, #tpu.memory_space<hbm>>) target_semaphore(%arg14 : memref<!tpu.dma_semaphore, #tpu.memory_space<semaphore_mem>>)
      } else {
      }
      %eq3A_649 = arith.constant 2 : i32
      %eq3A_650 = arith.cmpi eq, %select_n3A_638, %eq3A_649 : i32
      %convert_element_type3A_651 = arith.extui %eq3A_650 : i1 to i32
      %cond3A_652 = arith.constant 0 : i32
      %cond3A_653 = arith.cmpi ne, %convert_element_type3A_651, %cond3A_652 : i32
      scf.if %cond3A_653 {
        %dma_start3A_659 = arith.constant 3 : i32
        %dma_start3A_660 = arith.constant 0 : i32
        %dma_start3A_661 = arith.constant 0 : i32
        %dma_start3A_662 = tpu.memref_slice %arg6[%dma_start3A_659, %dma_start3A_660, %dma_start3A_661] : memref<4x512x32xf32, #tpu.memory_space<vmem>> -> memref<1x512x32xf32, #tpu.memory_space<vmem>>
        %dma_start3A_663 = tpu.memref_squeeze %dma_start3A_662 : memref<1x512x32xf32, #tpu.memory_space<vmem>> -> memref<512x32xf32, #tpu.memory_space<vmem>>
        %dma_start3A_664 = arith.constant 64 : i32
        %dma_start3A_665 = tpu.memref_slice %arg4[%add3A_622, %dma_start3A_664] : memref<819200x128xf32, #tpu.memory_space<hbm>> -> memref<512x32xf32, #tpu.memory_space<hbm>>
        %dma_start3A_666 = arith.constant 64 : i32
        %dma_start3A_667 = tpu.memref_slice %arg4[%add3A_622, %dma_start3A_666] : memref<819200x128xf32, #tpu.memory_space<hbm>> -> memref<512x32xf32, #tpu.memory_space<hbm>>
        %dma_start3A_668 = arith.constant 0 : i32
        %dma_start3A_669 = arith.constant 0 : i32
        %dma_start3A_670 = tpu.memref_slice %arg6[%dma_start3A_659, %dma_start3A_668, %dma_start3A_669] : memref<4x512x32xf32, #tpu.memory_space<vmem>> -> memref<1x512x32xf32, #tpu.memory_space<vmem>>
        %dma_start3A_671 = tpu.memref_squeeze %dma_start3A_670 : memref<1x512x32xf32, #tpu.memory_space<vmem>> -> memref<512x32xf32, #tpu.memory_space<vmem>>
        tpu.enqueue_dma source(%dma_start3A_671 : memref<512x32xf32, #tpu.memory_space<vmem>>) target(%dma_start3A_667 : memref<512x32xf32, #tpu.memory_space<hbm>>) target_semaphore(%arg14 : memref<!tpu.dma_semaphore, #tpu.memory_space<semaphore_mem>>)
      } else {
      }
      %eq3A_654 = arith.constant 3 : i32
      %eq3A_655 = arith.cmpi eq, %select_n3A_638, %eq3A_654 : i32
      %convert_element_type3A_656 = arith.extui %eq3A_655 : i1 to i32
      %cond3A_657 = arith.constant 0 : i32
      %cond3A_658 = arith.cmpi ne, %convert_element_type3A_656, %cond3A_657 : i32
      scf.if %cond3A_658 {
        %dma_start3A_659 = arith.constant 3 : i32
        %dma_start3A_660 = arith.constant 0 : i32
        %dma_start3A_661 = arith.constant 0 : i32
        %dma_start3A_662 = tpu.memref_slice %arg6[%dma_start3A_659, %dma_start3A_660, %dma_start3A_661] : memref<4x512x32xf32, #tpu.memory_space<vmem>> -> memref<1x512x32xf32, #tpu.memory_space<vmem>>
        %dma_start3A_663 = tpu.memref_squeeze %dma_start3A_662 : memref<1x512x32xf32, #tpu.memory_space<vmem>> -> memref<512x32xf32, #tpu.memory_space<vmem>>
        %dma_start3A_664 = arith.constant 96 : i32
        %dma_start3A_665 = tpu.memref_slice %arg4[%add3A_622, %dma_start3A_664] : memref<819200x128xf32, #tpu.memory_space<hbm>> -> memref<512x32xf32, #tpu.memory_space<hbm>>
        %dma_start3A_666 = arith.constant 96 : i32
        %dma_start3A_667 = tpu.memref_slice %arg4[%add3A_622, %dma_start3A_666] : memref<819200x128xf32, #tpu.memory_space<hbm>> -> memref<512x32xf32, #tpu.memory_space<hbm>>
        %dma_start3A_668 = arith.constant 0 : i32
        %dma_start3A_669 = arith.constant 0 : i32
        %dma_start3A_670 = tpu.memref_slice %arg6[%dma_start3A_659, %dma_start3A_668, %dma_start3A_669] : memref<4x512x32xf32, #tpu.memory_space<vmem>> -> memref<1x512x32xf32, #tpu.memory_space<vmem>>
        %dma_start3A_671 = tpu.memref_squeeze %dma_start3A_670 : memref<1x512x32xf32, #tpu.memory_space<vmem>> -> memref<512x32xf32, #tpu.memory_space<vmem>>
        tpu.enqueue_dma source(%dma_start3A_671 : memref<512x32xf32, #tpu.memory_space<vmem>>) target(%dma_start3A_667 : memref<512x32xf32, #tpu.memory_space<hbm>>) target_semaphore(%arg14 : memref<!tpu.dma_semaphore, #tpu.memory_space<semaphore_mem>>)
      } else {
      }
    }
    %scan3A_65 = arith.constant 50 : i32
    %dma_wait3A_66 = arith.constant 0 : i32
    %dma_wait3A_67 = arith.constant 0 : i32
    %dma_wait3A_68 = arith.constant 0 : i32
    %dma_wait3A_69 = tpu.memref_slice %arg6[%dma_wait3A_66, %dma_wait3A_67, %dma_wait3A_68] : memref<4x512x32xf32, #tpu.memory_space<vmem>> -> memref<1x512x32xf32, #tpu.memory_space<vmem>>
    %dma_wait3A_70 = tpu.memref_squeeze %dma_wait3A_69 : memref<1x512x32xf32, #tpu.memory_space<vmem>> -> memref<512x32xf32, #tpu.memory_space<vmem>>
    %dma_wait3A_71 = arith.constant 0 : i32
    %dma_wait3A_72 = arith.constant 0 : i32
    %dma_wait3A_73 = tpu.memref_slice %arg4[%dma_wait3A_71, %dma_wait3A_72] : memref<819200x128xf32, #tpu.memory_space<hbm>> -> memref<512x32xf32, #tpu.memory_space<hbm>>
    %dma_wait3A_74 = arith.constant 0 : i32
    %dma_wait3A_75 = arith.constant 0 : i32
    %dma_wait3A_76 = tpu.memref_slice %arg4[%dma_wait3A_74, %dma_wait3A_75] : memref<819200x128xf32, #tpu.memory_space<hbm>> -> memref<512x32xf32, #tpu.memory_space<hbm>>
    %dma_wait3A_77 = arith.constant 0 : i32
    %dma_wait3A_78 = arith.constant 0 : i32
    %dma_wait3A_79 = tpu.memref_slice %arg6[%dma_wait3A_66, %dma_wait3A_77, %dma_wait3A_78] : memref<4x512x32xf32, #tpu.memory_space<vmem>> -> memref<1x512x32xf32, #tpu.memory_space<vmem>>
    %dma_wait3A_80 = tpu.memref_squeeze %dma_wait3A_79 : memref<1x512x32xf32, #tpu.memory_space<vmem>> -> memref<512x32xf32, #tpu.memory_space<vmem>>
    tpu.wait_dma2 semaphore(%arg11 : memref<!tpu.dma_semaphore, #tpu.memory_space<semaphore_mem>>) src(%dma_wait3A_80 : memref<512x32xf32, #tpu.memory_space<vmem>>) dst(%dma_wait3A_76 : memref<512x32xf32, #tpu.memory_space<hbm>>)
    %dma_wait3A_81 = arith.constant 1 : i32
    %dma_wait3A_82 = arith.constant 0 : i32
    %dma_wait3A_83 = arith.constant 0 : i32
    %dma_wait3A_84 = tpu.memref_slice %arg6[%dma_wait3A_81, %dma_wait3A_82, %dma_wait3A_83] : memref<4x512x32xf32, #tpu.memory_space<vmem>> -> memref<1x512x32xf32, #tpu.memory_space<vmem>>
    %dma_wait3A_85 = tpu.memref_squeeze %dma_wait3A_84 : memref<1x512x32xf32, #tpu.memory_space<vmem>> -> memref<512x32xf32, #tpu.memory_space<vmem>>
    %dma_wait3A_86 = arith.constant 0 : i32
    %dma_wait3A_87 = arith.constant 0 : i32
    %dma_wait3A_88 = tpu.memref_slice %arg4[%dma_wait3A_86, %dma_wait3A_87] : memref<819200x128xf32, #tpu.memory_space<hbm>> -> memref<512x32xf32, #tpu.memory_space<hbm>>
    %dma_wait3A_89 = arith.constant 0 : i32
    %dma_wait3A_90 = arith.constant 0 : i32
    %dma_wait3A_91 = tpu.memref_slice %arg4[%dma_wait3A_89, %dma_wait3A_90] : memref<819200x128xf32, #tpu.memory_space<hbm>> -> memref<512x32xf32, #tpu.memory_space<hbm>>
    %dma_wait3A_92 = arith.constant 0 : i32
    %dma_wait3A_93 = arith.constant 0 : i32
    %dma_wait3A_94 = tpu.memref_slice %arg6[%dma_wait3A_81, %dma_wait3A_92, %dma_wait3A_93] : memref<4x512x32xf32, #tpu.memory_space<vmem>> -> memref<1x512x32xf32, #tpu.memory_space<vmem>>
    %dma_wait3A_95 = tpu.memref_squeeze %dma_wait3A_94 : memref<1x512x32xf32, #tpu.memory_space<vmem>> -> memref<512x32xf32, #tpu.memory_space<vmem>>
    tpu.wait_dma2 semaphore(%arg12 : memref<!tpu.dma_semaphore, #tpu.memory_space<semaphore_mem>>) src(%dma_wait3A_95 : memref<512x32xf32, #tpu.memory_space<vmem>>) dst(%dma_wait3A_91 : memref<512x32xf32, #tpu.memory_space<hbm>>)
    %dma_wait3A_96 = arith.constant 2 : i32
    %dma_wait3A_97 = arith.constant 0 : i32
    %dma_wait3A_98 = arith.constant 0 : i32
    %dma_wait3A_99 = tpu.memref_slice %arg6[%dma_wait3A_96, %dma_wait3A_97, %dma_wait3A_98] : memref<4x512x32xf32, #tpu.memory_space<vmem>> -> memref<1x512x32xf32, #tpu.memory_space<vmem>>
    %dma_wait3A_100 = tpu.memref_squeeze %dma_wait3A_99 : memref<1x512x32xf32, #tpu.memory_space<vmem>> -> memref<512x32xf32, #tpu.memory_space<vmem>>
    %dma_wait3A_101 = arith.constant 0 : i32
    %dma_wait3A_102 = arith.constant 0 : i32
    %dma_wait3A_103 = tpu.memref_slice %arg4[%dma_wait3A_101, %dma_wait3A_102] : memref<819200x128xf32, #tpu.memory_space<hbm>> -> memref<512x32xf32, #tpu.memory_space<hbm>>
    %dma_wait3A_104 = arith.constant 0 : i32
    %dma_wait3A_105 = arith.constant 0 : i32
    %dma_wait3A_106 = tpu.memref_slice %arg4[%dma_wait3A_104, %dma_wait3A_105] : memref<819200x128xf32, #tpu.memory_space<hbm>> -> memref<512x32xf32, #tpu.memory_space<hbm>>
    %dma_wait3A_107 = arith.constant 0 : i32
    %dma_wait3A_108 = arith.constant 0 : i32
    %dma_wait3A_109 = tpu.memref_slice %arg6[%dma_wait3A_96, %dma_wait3A_107, %dma_wait3A_108] : memref<4x512x32xf32, #tpu.memory_space<vmem>> -> memref<1x512x32xf32, #tpu.memory_space<vmem>>
    %dma_wait3A_110 = tpu.memref_squeeze %dma_wait3A_109 : memref<1x512x32xf32, #tpu.memory_space<vmem>> -> memref<512x32xf32, #tpu.memory_space<vmem>>
    tpu.wait_dma2 semaphore(%arg13 : memref<!tpu.dma_semaphore, #tpu.memory_space<semaphore_mem>>) src(%dma_wait3A_110 : memref<512x32xf32, #tpu.memory_space<vmem>>) dst(%dma_wait3A_106 : memref<512x32xf32, #tpu.memory_space<hbm>>)
    %dma_wait3A_111 = arith.constant 3 : i32
    %dma_wait3A_112 = arith.constant 0 : i32
    %dma_wait3A_113 = arith.constant 0 : i32
    %dma_wait3A_114 = tpu.memref_slice %arg6[%dma_wait3A_111, %dma_wait3A_112, %dma_wait3A_113] : memref<4x512x32xf32, #tpu.memory_space<vmem>> -> memref<1x512x32xf32, #tpu.memory_space<vmem>>
    %dma_wait3A_115 = tpu.memref_squeeze %dma_wait3A_114 : memref<1x512x32xf32, #tpu.memory_space<vmem>> -> memref<512x32xf32, #tpu.memory_space<vmem>>
    %dma_wait3A_116 = arith.constant 0 : i32
    %dma_wait3A_117 = arith.constant 0 : i32
    %dma_wait3A_118 = tpu.memref_slice %arg4[%dma_wait3A_116, %dma_wait3A_117] : memref<819200x128xf32, #tpu.memory_space<hbm>> -> memref<512x32xf32, #tpu.memory_space<hbm>>
    %dma_wait3A_119 = arith.constant 0 : i32
    %dma_wait3A_120 = arith.constant 0 : i32
    %dma_wait3A_121 = tpu.memref_slice %arg4[%dma_wait3A_119, %dma_wait3A_120] : memref<819200x128xf32, #tpu.memory_space<hbm>> -> memref<512x32xf32, #tpu.memory_space<hbm>>
    %dma_wait3A_122 = arith.constant 0 : i32
    %dma_wait3A_123 = arith.constant 0 : i32
    %dma_wait3A_124 = tpu.memref_slice %arg6[%dma_wait3A_111, %dma_wait3A_122, %dma_wait3A_123] : memref<4x512x32xf32, #tpu.memory_space<vmem>> -> memref<1x512x32xf32, #tpu.memory_space<vmem>>
    %dma_wait3A_125 = tpu.memref_squeeze %dma_wait3A_124 : memref<1x512x32xf32, #tpu.memory_space<vmem>> -> memref<512x32xf32, #tpu.memory_space<vmem>>
    tpu.wait_dma2 semaphore(%arg14 : memref<!tpu.dma_semaphore, #tpu.memory_space<semaphore_mem>>) src(%dma_wait3A_125 : memref<512x32xf32, #tpu.memory_space<vmem>>) dst(%dma_wait3A_121 : memref<512x32xf32, #tpu.memory_space<hbm>>)
    return
  }
}

module attributes {stable_mosaic.version = 14 : i64} {
  func.func @_transpose_body(%arg0: i32, %arg1: memref<1x16384x128xf32, #tpu.memory_space<vmem>>, %arg2: memref<4x32x16384xf32, #tpu.memory_space<vmem>>) attributes {dimension_semantics = [#tpu.dimension_semantics<arbitrary>], iteration_bounds = array<i64: 50>, scalar_prefetch = 0 : i64, scratch_operands = 0 : i64, tpu.core_type = #tpu.core_type<tc>, window_params = [{transform_indices = @transform_0, window_bounds = array<i64: 1, 16384, 128>}, {transform_indices = @transform_1, window_bounds = array<i64: 4, 32, 16384>}]} {
    %get3A = arith.constant 0 : index
    %get3A_0 = arith.constant 0 : index
    %get3A_1 = arith.constant 0 : index
    %get3A_2 = vector.load %arg1[%get3A, %get3A_0, %get3A_1] : memref<1x16384x128xf32, #tpu.memory_space<vmem>>, vector<1x16384x128xf32>
    %get3A_3 = vector.shape_cast %get3A_2 : vector<1x16384x128xf32> to vector<16384x128xf32>
    %transpose3A = tpu.transpose %get3A_3, [1, 0] : vector<16384x128xf32> -> vector<128x16384xf32>
    %reshape3A = vector.shape_cast %transpose3A : vector<128x16384xf32> to vector<4x32x16384xf32>
    %swap3A = arith.constant 0 : index
    %swap3A_4 = arith.constant 0 : index
    %swap3A_5 = arith.constant 0 : index
    %swap3A_6 = vector.load %arg2[%swap3A, %swap3A_4, %swap3A_5] : memref<4x32x16384xf32, #tpu.memory_space<vmem>>, vector<4x32x16384xf32>
    tpu.vector_store %arg2[%swap3A, %swap3A_4, %swap3A_5], %reshape3A {strides = array<i32>} : memref<4x32x16384xf32, #tpu.memory_space<vmem>>, vector<4x32x16384xf32>,
    return
  }
  func.func @transform_0(%arg0: i32) -> (i32, i32, i32) {
    %c0_i32 = arith.constant 0 : i32
    %c0_i32_0 = arith.constant 0 : i32
    %c0_i32_1 = arith.constant 0 : i32
    return %arg0, %c0_i32, %c0_i32_0 : i32, i32, i32
  }
  func.func @transform_1(%arg0: i32) -> (i32, i32, i32) {
    %c0_i32 = arith.constant 0 : i32
    %c0_i32_0 = arith.constant 0 : i32
    %c0_i32_1 = arith.constant 0 : i32
    return %arg0, %c0_i32, %c0_i32_0 : i32, i32, i32
  }
}

</mosaic_0001>

<sc_bundles>
// kernel: kernel.4.cloned.1.call-start
scs
__scs_entry_jumppad:
0x0: {  	(pc) =	sbr.rel $0x88, $3  }
0x1: {  	(tag) =	ssettag $0x0;
	lr =	simm.s32 $0x1  }
0x2: {  	[smem:$0x3F9F] =	sst lr;
	_ =	strace $0xD0000000  }
0x3: {  	_ = 	snop  }
0x4: {  	_ = 	snop  }
0x5: {  	_ = 	snop  }
0x6: {  	_ = 	snop  }
0x7: {  	_ = 	snop  }
__scs_overlays_trampoline_lowered:
0x8: {  	[smem:$0x3FAE] =	sst s0  }
0x9: {  	[smem:$0x3FAF] =	sst s1  }
0xa: {  	[smem:$0x3FB0] =	sst s2  }
0xb: {  	[smem:$0x3FB1] =	sst s3  }
0xc: {  	[smem:$0x3FB2] =	sst s4  }
0xd: {  	[smem:$0x3FB3] =	sst s5  }
0xe: {  	[smem:$0x3FB4] =	sst s6  }
0xf: {  	[smem:$0x3FB5] =	sst s7  }
0x10: {  	[smem:$0x3FB6] =	sst s8  }
0x11: {  	[smem:$0x3FB7] =	sst s9;
	s0 =	simm.s32 @!p0 $0x0  }
0x12: {  	s1 =	sld [smem:$0x3F9D];
	s0 =	simm.s32 @p0 $0x1  }
0x13: {  	[smem:$0x3FB8] =	sst s0;
	s0 =	simm.s32 @!p1 $0x0  }
0x14: {  	s2 =	sld [smem:$0x3F9C];
	s0 =	simm.s32 @p1 $0x1  }
0x15: {  	[smem:$0x3FB9] =	sst s0;
	s0 =	simm.s32 @!p2 $0x0  }
0x16: {  	s3 =	sld [smem:$0x3FDB];
	s0 =	simm.s32 @p2 $0x1  }
0x17: {  	s4 =	simm.s32 $0x1BF5;
	[smem:$0x3FBB] =	sst s0  }
0x18: {  	s0 =	sld [smem:$0x3F9E];
	_ =	swait.ge [sflag:s4], $0x0  }
0x19: {  	s7 =	sld [smem:$0x3F9F]  }
0x1a: {  	s8 =	sadd.s32 $0xFFFFE003, lr  }
0x1b: {  	s9 =	sadd.s32 $0xFFFFFEF7, lr;
	s5 =	simm.s32 $0xFFFFFFFF;
	p2 =	slt.u32 s8, $0xFFFFF086  }
0x1c: {  	p1 =	slt.u32 s9, $0xF7A;
	s5 =	simm.s32 @!p2 $0x0  }
0x1d: {  	s5 =	simm.s32 @p1 $0x1;
	p0 =	seq.s32 s7, s2  }
0x1e: {  	s7 =	smul.u32 @!p0 $0xF7A, s2;
	p2 =	seq.s32 @!p0 s5, $0x0  }
0x1f: {  	s9 =	smul.u32 $0xF7A, s1;
	s8 =	simm.s32 @!p0 $0x1BF5;
	p2 =	por !p2, p0  }
0x20: {  	[sflag:s8] =	ssyncset.s32 @!p0 $0xFFFFF086;
	s6 =	sadd.s32 @!p0 s3, s7;
	s7 =	simm.s32 @!p0 $0x108  }
0x21: {  	s3 =	sadd.s32 s3, s9;
	s6 =	sadd.s32 @!p0 $0x88, s6;
	s7 =	simm.s32 @p2 $0x1082  }
0x22: {  	[simem:s7], [sflag:s8] =	dma.local @!p0 [hbm:s6], $0xF7A  }
0x23: {  	s9 =	sor.u32 $0xD0000000, s2;
	s6 =	simm.s32 $0x108;
	_ =	swait.ge @!p0 [sflag:s8], $0x0  }
0x24: {  	s3 =	sadd.s32 $0x88, s3;
	s6 =	simm.s32 @!p1 $0x1082;
	[sflag:s4] =	ssyncset.s32 $0xFFFFF086  }
0x25: {  	[simem:s6], [sflag:s4] =	dma.local [hbm:s3], $0xF7A  }
0x26: {  	[smem:$0x3F9F] =	sst s1;
	(tag) =	ssettag s2;
	_ =	strace s9  }
0x27: {  	s1 =	sld [smem:$0x3FAF]  }
0x28: {  	s2 =	sld [smem:$0x3FB0]  }
0x29: {  	s4 =	sld [smem:$0x3FB2]  }
0x2a: {  	p0 =	seq.s32 s5, $0x0;
	s5 =	sld [smem:$0x3FB3]  }
0x2b: {  	s6 =	sld [smem:$0x3FB4]  }
0x2c: {  	s7 =	sld [smem:$0x3FB5]  }
0x2d: {  	s3 =	simm.s32 $0x108;
	s8 =	sld [smem:$0x3FB6]  }
0x2e: {  	s3 =	simm.s32 @!p0 $0x1082;
	s9 =	sld [smem:$0x3FB7]  }
0x2f: {  	lr =	sadd.s32 s0, s3;
	s0 =	sld [smem:$0x3FAE]  }
0x30: {  	s3 =	sld [smem:$0x3FB1]  }
0x31: {  	[smem:$0x3FBA] =	sst s10  }
0x32: {  	s10 =	sld [smem:$0x3FB8];
	_ =	sdelay $0x3  }
0x33: {  	p0 =	seq.s32 s10, $0x1;
	s10 =	sld [smem:$0x3FBA];
	_ =	sdelay $0x3  }
0x34: {  	[smem:$0x3FBA] =	sst s10  }
0x35: {  	s10 =	sld [smem:$0x3FB9];
	_ =	sdelay $0x3  }
0x36: {  	p1 =	seq.s32 s10, $0x1;
	s10 =	sld [smem:$0x3FBA];
	_ =	sdelay $0x3  }
0x37: {  	[smem:$0x3FBA] =	sst s10  }
0x38: {  	s10 =	sld [smem:$0x3FBB]  }
0x39: {  	_ = 	snop;
	(pc) =	sbr.ind lr, $3  }
0x3a: {  	_ = 	snop  }
0x3b: {  	_ = 	snop  }
0x3c: {  	p2 =	seq.s32 s10, $0x1;
	s10 =	sld [smem:$0x3FBA]  }
0x3d: {  	_ =	shalt  }
0x3e: {  	_ =	shalt  }
0x3f: {  	_ =	shalt  }
0x40: {  	_ =	shalt  }
0x41: {  	_ =	shalt  }
0x42: {  	_ =	shalt  }
0x43: {  	_ =	shalt  }
0x44: {  	_ =	shalt  }
0x45: {  	_ =	shalt  }
0x46: {  	_ =	shalt  }
0x47: {  	_ =	shalt  }
0x48: {  	_ =	shalt  }
0x49: {  	_ =	shalt  }
0x4a: {  	_ =	shalt  }
0x4b: {  	_ =	shalt  }
0x4c: {  	_ =	shalt  }
0x4d: {  	_ =	shalt  }
0x4e: {  	_ =	shalt  }
0x4f: {  	_ =	shalt  }
0x50: {  	_ =	shalt  }
0x51: {  	_ =	shalt  }
0x52: {  	_ =	shalt  }
0x53: {  	_ =	shalt  }
0x54: {  	_ =	shalt  }
0x55: {  	_ =	shalt  }
0x56: {  	_ =	shalt  }
0x57: {  	_ =	shalt  }
0x58: {  	_ =	shalt  }
0x59: {  	_ =	shalt  }
0x5a: {  	_ =	shalt  }
0x5b: {  	_ =	shalt  }
0x5c: {  	_ =	shalt  }
0x5d: {  	_ =	shalt  }
0x5e: {  	_ =	shalt  }
0x5f: {  	_ =	shalt  }
0x60: {  	_ =	shalt  }
0x61: {  	_ =	shalt  }
0x62: {  	_ =	shalt  }
0x63: {  	_ =	shalt  }
0x64: {  	_ =	shalt  }
0x65: {  	_ =	shalt  }
0x66: {  	_ =	shalt  }
0x67: {  	_ =	shalt  }
0x68: {  	_ =	shalt  }
0x69: {  	_ =	shalt  }
0x6a: {  	_ =	shalt  }
0x6b: {  	_ =	shalt  }
0x6c: {  	_ =	shalt  }
0x6d: {  	_ =	shalt  }
0x6e: {  	_ =	shalt  }
0x6f: {  	_ =	shalt  }
0x70: {  	_ =	shalt  }
0x71: {  	_ =	shalt  }
0x72: {  	_ =	shalt  }
0x73: {  	_ =	shalt  }
0x74: {  	_ =	shalt  }
0x75: {  	_ =	shalt  }
0x76: {  	_ =	shalt  }
0x77: {  	_ =	shalt  }
0x78: {  	_ =	shalt  }
0x79: {  	_ =	shalt  }
0x7a: {  	_ =	shalt  }
0x7b: {  	_ =	shalt  }
0x7c: {  	_ =	shalt  }
0x7d: {  	_ =	shalt  }
0x7e: {  	_ =	shalt  }
0x7f: {  	_ =	shalt  }
0x80: {  	_ =	shalt  }
0x81: {  	_ =	shalt  }
0x82: {  	_ =	shalt  }
0x83: {  	_ =	shalt  }
0x84: {  	_ =	shalt  }
0x85: {  	_ =	shalt  }
0x86: {  	_ =	shalt  }
0x87: {  	_ =	shalt  }
.Lfunc_end0:
.L_simem_size_0:
called_computation_lowered:
.L_overlay_start_0:
0x88: {  	s2 =	sld [smem:$0x3FD9]  }
0x89: {  	s3 =	sld [smem:$0x3FFE];
	_ =	sdelay $0x1  }
0x8a: {  	s1 =	srdreg.scid  }
0x8b: {  	s0 =	sand.u32 $0x1, s1  }
0x8c: {  	s17 =	sshll.u32 s0, $0xA;
	s2 =	sadd.s32 s3, s2  }
0x8d: {  	s2 =	sadd.s32 s2, s17  }
0x8e: {  	[smem:$0x3FC6] =	sst s2  }
0x8f: {  	_ = 	snop  }
0x90: {  	s2 =	sld [smem:$0x3FD0];
	(tm) =	ssettm $0x1  }
0x91: {  	s18 =	sld [smem:$0x3FFB];
	_ =	sdelay $0x3  }
0x92: {  	_ =	strace s18  }
0x93: {  	s3 =	sld [smem:$0x3FFC];
	_ =	sdelay $0x3  }
0x94: {  	_ =	strace s3  }
0x95: {  	s3 =	sld [smem:$0x3FFD];
	_ =	sdelay $0x3  }
0x96: {  	_ =	strace s3  }
0x97: {  	_ =	strace $0x8FFFFFFF  }
0x98: {  	s19 =	sld [smem:$0x3FDB];
	_ =	sdelay $0x1  }
0x99: {  	s4 =	simm.s32 $_scs_section_size  }
0x9a: {  	s5 =	simm.s32 $_size__tile_overlayer_lowered;
	s6 =	simm.s32 $_tile_overlayer_lowered  }
0x9b: {  	s22 =	simm.s32 $0x1BFF;
	s21 =	sshll.u32 s6, $0x1;
	s3 =	sadd.s32 s4, s19  }
0x9c: {  	s7 =	simm.s32 $0x0;
	s20 =	sshll.u32 s5, $0x1;
	s5 =	sadd.s32 s21, s3  }
0x9d: {  	[timem:s7], [sflag:s22] =	dma.local [hbm:s5], s20  }
0x9e: {  	_ =	swait.ge [sflag:s22], s20  }
0x9f: {  	s4 =	ssub.s32 $0x0, s20;
	[sflag:s22] =	ssyncset.done $0x0  }
0xa0: {  	[sflag:s22] =	ssyncadd.s32 s4;
	_ =	sdelay $0x1  }
0xa1: {  	s23 =	simm.s32 $0x1B8B  }
0xa2: {  	_ =	swait.ge [sflag:s23], $0x1  }
0xa3: {  	[sflag:s23] =	ssyncset.done $0x0  }
0xa4: {  	s25 =	simm.s32 $0x1B8E;
	s24 =	sld [smem:$0x3FFE];
	[sflag:s23] =	ssyncadd.s32 $0xFFFFFFFF  }
0xa5: {  	s26 =	simm.s32 $execute0_lowered;
	[smem:$0x3FD2] =	sst s25  }
0xa6: {  	s5 =	sshll.u32 s26, $0x1;
	_ =	strace $0x80000046;
	[dreg:$0x1] =	wrdreg $0xFFFFFFFF  }
0xa7: {  	s28 =	simm.s32 $_size_execute0_lowered;
	s3 =	sadd.s32 s3, s5;
	[dreg:$0x0] =	wrdreg $0x0  }
0xa8: {  	s5 =	sshll.u32 s28, $0x1;
	[dreg:$0x2] =	wrdreg s3  }
0xa9: {  	[dreg:$0x3] =	wrdreg s5  }
0xaa: {  	[dreg:$0x4] =	wrdreg $0xC0  }
0xab: {  	_ =	task [dreg:s7], $0x5FFFF  }
0xac: {  	[dreg:$0x1] =	wrdreg $0xFFFFFFFF  }
0xad: {  	[dreg:$0x0] =	wrdreg $0x60  }
0xae: {  	[dreg:$0x2] =	wrdreg s24  }
0xaf: {  	[dreg:$0x3] =	wrdreg s2  }
0xb0: {  	[dreg:$0x4] =	wrdreg $0x9  }
0xb1: {  	_ =	task.clear_ibuf [dreg:s7], $0x5FFFF;
	_ =	strace $0x90000046  }
0xb2: {  	s29 =	simm.s32 $0x9;
	_ =	strace $0x80000048  }
0xb3: {  	_ =	swait.ge [sflag:s29], $0x1  }
0xb4: {  	[sflag:s29] =	ssyncadd.s32 $0xFFFFFFFF  }
0xb5: {  	_ =	strace $0x90000048  }
0xb6: {  	_ =	sfence  }
0xb7: {  	s30 =	sld [smem:$0x0];
	_ =	sdelay $0x2  }
0xb8: {  	s31 =	sshll.u32 s1, $0xD;
	s1 =	sshrl.u32 s1, $0x2  }
0xb9: {  	s3 =	sand.u32 $0x4000, s31;
	s1 =	sadd.s32 s1, s30  }
0xba: {  	s0 =	sor.u32 s3, s0;
	s1 =	sshll.u32 s1, $0x11  }
0xbb: {  	s0 =	sor.u32 s1, s0  }
0xbc: {  	s0 =	sadd.s32 $0x8F2B, s0  }
0xbd: {  	[sflag:s0] =	ssyncadd.remote.s32 $0x1  }
0xbe: {  	_ =	sfence.sel $0xFFFF  }
0xbf: {  	[dreg:$0x0] =	wrdreg $0xFFFFFFFF;
	(pc) =	sbr.abs _section_cstart, $3  }
0xc0: {  	[dreg:$0x1] =	wrdreg $0xFFFFFFFF  }
0xc1: {  	_ =	task.clear_ibuf [dreg:s7], $0x2FFFF;
	_ =	strace $0x9FFFFFFF  }
0xc2: {  	(tm) =	ssettm $0x7FFFFFFF  }
0xc3: {  	_ =	shalt  }
tec
execute0_lowered:
.L_overlay_start_1:
0x0: {  	(tag) =	ssettag $0x1  }
0x1: {  	s0 =	rddreg [dreg:$0x0]  }
0x2: {  	s1 =	srdreg.scid;
	s7 =	stileid.u32  }
0x3: {  	s2 =	rddreg [dreg:$0x1];
	s4 =	simm.s32 $0x0;
	s28 =	simm.s32 $0x600  }
0x4: {  	s29 =	simm.s32 $0xB;
	s30 =	simm.s32 $0x8800;
	s31 =	simm.s32 $0x1  }
0x5: {  	s1 =	sand.u32 $0x1, s1;
	s3 =	sshll.u32 s7, $0x1;
	[smem:$0x7FF] =	sst s4  }
0x6: {  	s5 =	sadd.s32 $0x400, s0;
	s4 =	sadd.s32 $0x64400, s0;
	s7 =	smul.u32 $0x32000, s7  }
0x7: {  	s11 =	sadd.s32 $0x64404, s0;
	s3 =	sor.u32 s1, s3;
	s6 =	ssub.s32 $0x2, s1  }
0x8: {  	_ =	strace $0x80000047;
	s1 =	smul.u32 $0x19000, s1;
	s8 =	sshrl.u32 s6, $0x1  }
0x9: {  	s3 =	smul.u32 $0x19000, s3;
	s10 =	ssub.s32 s6, s8;
	s8 =	sadd.s32 $0x6440C, s0  }
0xa: {  	s14 =	sadd.s32 s1, s7;
	s6 =	simm.s32 $0xC;
	s7 =	simm.s32 $0xC800  }
0xb: {  	s3 =	sshrl.u32 s3, $0x3;
	s15 =	smax.u32 s10, $0x1;
	s16 =	sshrl.u32 s14, $0x2  }
0xc: {  	s17 =	sor.u32 $0x200, s14;
	s1 =	sor.u32 $0x400, s14;
	[dreg:$0x6] =	wrdreg s14  }
0xd: {  	s18 =	sor.u32 $0x800, s14;
	s21 =	sor.u32 $0xA00, s14;
	[dreg:$0x7] =	wrdreg s15  }
0xe: {  	s22 =	sor.u32 $0xC00, s14;
	s9 =	sadd.s32 s5, s3;
	[dreg:$0x8] =	wrdreg s16  }
0xf: {  	s23 =	sor.u32 $0x600, s14;
	s19 =	sshrl.u32 s1, $0x2;
	[dreg:$0x3] =	wrdreg s9  }
0x10: {  	s10 =	simm.s32 $0x8;
	s26 =	sshrl.u32 s23, $0x2;
	[dreg:$0xa] =	wrdreg s19  }
0x11: {  	s20 =	sshrl.u32 s18, $0x3;
	s12 =	sadd.s32 $0x40, s9;
	[dreg:$0xe] =	wrdreg s26  }
0x12: {  	s1 =	sshrl.u32 s22, $0x3;
	s13 =	sadd.s32 $0x80, s9;
	[dreg:$0x4] =	wrdreg s12  }
0x13: {  	s9 =	sadd.s32 $0x64408, s0;
	s0 =	sshrl.u32 s17, $0x2;
	[dreg:$0x5] =	wrdreg s13  }
0x14: {  	s25 =	sshrl.u32 s23, $0x3;
	s24 =	sadd.s32 s1, s5;
	[dreg:$0x9] =	wrdreg s0  }
0x15: {  	s16 =	simm.s32 $0x4;
	s0 =	sadd.s32 s20, s5;
	[dreg:$0xd] =	wrdreg s24  }
0x16: {  	s1 =	simm.s32 $0x20;
	[dreg:$0xb] =	wrdreg s0;
	s0 =	sshrl.u32 s21, $0x3  }
0x17: {  	s12 =	simm.s32 $0x2;
	s13 =	simm.s32 $0x0;
	s0 =	sadd.s32 s0, s5  }
0x18: {  	s21 =	simm.s32 $0x200;
	[dreg:$0xc] =	wrdreg s0;
	s0 =	sadd.s32 s25, s5  }
0x19: {  	s5 =	simm.s32 $0x3;
	[dreg:$0xf] =	wrdreg s0;
	s0 =	simm.s32 $0x80  }
.LBB2_1:
0x1a: {  	[dreg:$0x10] =	wrdreg s13  }
0x1b: {  	s3 =	simm.s32 $0x0;
	s19 =	rddreg [dreg:$0x3]  }
0x1c: {  	[tilespmem:s3], [sflag:$0x9] =	stream.linear.gather [hbm4b:s19+s3], $0x200, $0x38;
	[tilespmem:$0x10800] =	vst v63  }
0x1d: {  	s20 =	rddreg [dreg:$0x4]  }
0x1e: {  	[tilespmem:s21], [sflag:$0xA] =	stream.linear.gather [hbm4b:s20+s3], $0x200, $0x38;
	[tilespmem:$0x10800] =	vst v63  }
0x1f: {  	s22 =	rddreg [dreg:$0x5];
	s14 =	simm.s32 $0x400;
	s23 =	simm.s32 $0x9  }
0x20: {  	[tilespmem:s14], [sflag:$0xB] =	stream.linear.gather [hbm4b:s22+s3], $0x200, $0x38;
	[tilespmem:$0x10800] =	vst v63  }
0x21: {  	_ =	swait.ge [sflag:s23], $0x200  }
0x22: {  	[sflag:s23] =	ssyncset.done $0x0  }
0x23: {  	s24 =	simm.s32 $0x800;
	s25 =	simm.s32 $0xA;
	[sflag:s23] =	ssyncadd.s32 $0xFFFFFE00  }
0x24: {  	[tilespmem:s24], [sflag:$0x1] =	stream.indirect.gather [hbm4b:s2+s21], $0x20, s3, s21, $0xb8;
	[tilespmem:$0x10800] =	vst v63  }
0x25: {  	_ =	swait.ge [sflag:s25], $0x200  }
0x26: {  	s17 =	rddreg [dreg:$0xd]  }
0x27: {  	s18 =	rddreg [dreg:$0xc]  }
0x28: {  	s20 =	rddreg [dreg:$0xb]  }
0x29: {  	s26 =	simm.s32 $0x4800;
	[sflag:s25] =	ssyncset.done $0x0;
	s23 =	rddreg [dreg:$0x6]  }
0x2a: {  	s3 =	simm.s32 $0x0;
	[sflag:s25] =	ssyncadd.s32 $0xFFFFFE00;
	s25 =	rddreg [dreg:$0xf]  }
0x2b: {  	[tilespmem:s26], [sflag:$0x2] =	stream.indirect.gather [hbm4b:s2+s21], $0x20, s21, s21, $0xb8;
	[tilespmem:$0x10800] =	vst v63  }
.LBB2_2:
0x2c: {  	s13 =	simm.s32 $0x0;
	p0 =	seq.s32 s3, $0x0  }
0x2d: {  	[tilespmem:s28], [sflag:$0xC] =	stream.linear.gather [hbm4b:s25+s13], $0x200, $0x38;
	[tilespmem:$0x10800] =	vst v63  }
0x2e: {  	s22 =	simm.s32 @!p0 $0x7  }
0x2f: {  	_ =	swait.ge @!p0 [sflag:s22], $0x4000  }
0x30: {  	[sflag:s22] =	ssyncset.done @!p0 $0x0  }
0x31: {  	[sflag:s22] =	ssyncadd.s32 @!p0 $0xFFFFC000  }
0x32: {  	s26 =	simm.s32 $0x400;
	_ =	swait.ge [sflag:s29], $0x200  }
0x33: {  	s13 =	sshrl.u32 s23, $0xE;
	[sflag:s29] =	ssyncset.done $0x0;
	s14 =	rddreg [dreg:$0x8]  }
0x34: {  	s22 =	sand.u32 $0x3, s13;
	[sflag:s29] =	ssyncadd.s32 $0xFFFFFE00;
	s24 =	sadd.s32 s3, s14  }
0x35: {  	[tilespmem:s30], [sflag:$0x3] =	stream.indirect.gather [hbm4b:s2+s21], $0x20, s26, s21, $0xb8;
	[tilespmem:$0x10800] =	vst v63  }
0x36: {  	p0 =	sgt.s32 s22, $0x1;
	s26 =	sand.u32 $0x3800, s23;
	s24 =	sand.u32 $0x1FFC000, s24  }
0x37: {  	p1 =	seq.s32 @p0 s22, $0x2;
	s24 =	sor.u32 s26, s24  }
0x38: {  	p3 =	seq.s32 @!p0 s22, $0x0;
	p2 =	por p1, !p0;
	s24 =	sshll.u32 s24, $0x4  }
0x39: {  	s15 =	simm.s32 $0x800;
	s22 =	sadd.s32 @!p2 s24, s8;
	p2 =	por p3, p0  }
0x3a: {  	p1 =	por !p1, !p0;
	s26 =	sadd.s32 @!p2 s24, s11;
	p2 =	por !p3, p0  }
0x3b: {  	_ =	swait.ge [sflag:s31], $0x4000;
	s13 =	sadd.s32 @!p1 s24, s9;
	s24 =	sadd.s32 @!p2 s4, s24  }
0x3c: {  	[sflag:s31] =	ssyncset.done $0x0;
	s13 =	smov.u32 @p1 s22;
	s24 =	smov.u32 @p2 s26  }
0x3d: {  	[sflag:s31] =	ssyncadd.s32 $0xFFFFC000;
	s24 =	smov.u32 @p0 s13;
	p0 =	seq.s32 s3, $0x6200  }
0x3e: {  	[hbm4b:s24+s1] =	stream.strided.scatter [tilespmem:s15], [sflag:$0x5], $0x4000, s0, s1, $0x38;
	[tilespmem:$0x10800] =	vst v63  }
0x3f: {  	p1 =	seq.s32 @!p0 s3, $0x0  }
0x40: {  	s24 =	simm.s32 @!p0 $0x0;
	p1 =	por p0, !p1  }
0x41: {  	[tilespmem:s24], [sflag:$0x9] =	stream.linear.gather @!p0 [hbm4b:s20+s24], $0x200, $0x38;
	[tilespmem:$0x10800] =	vst v63  }
0x42: {  	_ =	swait.ge @p1 [sflag:s10], $0x4000  }
0x43: {  	[sflag:s10] =	ssyncset.done @p1 $0x0  }
0x44: {  	s19 =	sadd.s32 $0x200, s23;
	[sflag:s10] =	ssyncadd.s32 @p1 $0xFFFFC000  }
0x45: {  	s15 =	sshrl.u32 s19, $0xE;
	_ =	swait.ge [sflag:s6], $0x200  }
0x46: {  	s26 =	sand.u32 $0x3, s15;
	[sflag:s6] =	ssyncset.done $0x0;
	s14 =	rddreg [dreg:$0x9]  }
0x47: {  	p1 =	sgt.s32 s26, $0x1;
	[sflag:s6] =	ssyncadd.s32 $0xFFFFFE00;
	s14 =	sadd.s32 s3, s14  }
0x48: {  	[tilespmem:s7], [sflag:$0x4] =	stream.indirect.gather [hbm4b:s2+s21], $0x20, s28, s21, $0xb8;
	[tilespmem:$0x10800] =	vst v63  }
0x49: {  	s13 =	sand.u32 $0x3A00, s19;
	p2 =	seq.s32 @p1 s26, $0x2;
	s14 =	sand.u32 $0x1FFC000, s14  }
0x4a: {  	p4 =	seq.s32 @!p1 s26, $0x0;
	p3 =	por !p2, !p1;
	s13 =	sor.u32 s13, s14  }
0x4b: {  	p2 =	por p2, !p1;
	_ =	swait.ge [sflag:s12], $0x4000;
	s13 =	sshll.u32 s13, $0x4  }
0x4c: {  	s14 =	sadd.s32 @!p2 s13, s8;
	p2 =	por !p4, p1;
	p4 =	por p4, p1  }
0x4d: {  	s26 =	sadd.s32 @!p3 s13, s9;
	s15 =	sadd.s32 @!p2 s4, s13;
	s13 =	sadd.s32 @!p4 s13, s11  }
0x4e: {  	[sflag:s12] =	ssyncset.done $0x0;
	s26 =	smov.u32 @p3 s14;
	s15 =	smov.u32 @p2 s13  }
0x4f: {  	s19 =	simm.s32 $0x4800;
	[sflag:s12] =	ssyncadd.s32 $0xFFFFC000;
	s15 =	smov.u32 @p1 s26  }
0x50: {  	[hbm4b:s15+s1] =	stream.strided.scatter [tilespmem:s19], [sflag:$0x6], $0x4000, s0, s1, $0x38;
	[tilespmem:$0x10800] =	vst v63  }
0x51: {  	s14 =	simm.s32 @!p0 $0x5;
	s13 =	simm.s32 @!p0 $0x200  }
0x52: {  	[tilespmem:s13], [sflag:$0xA] =	stream.linear.gather @!p0 [hbm4b:s18+s24], $0x200, $0x38;
	[tilespmem:$0x10800] =	vst v63  }
0x53: {  	_ =	swait.ge @!p0 [sflag:s14], $0x4000  }
0x54: {  	[sflag:s14] =	ssyncset.done @!p0 $0x0  }
0x55: {  	[sflag:s14] =	ssyncadd.s32 @!p0 $0xFFFFC000;
	s14 =	simm.s32 @!p0 $0x9  }
0x56: {  	_ =	swait.ge @!p0 [sflag:s14], $0x200  }
0x57: {  	[sflag:s14] =	ssyncset.done @!p0 $0x0  }
0x58: {  	[sflag:s14] =	ssyncadd.s32 @!p0 $0xFFFFFE00;
	s14 =	simm.s32 @!p0 $0x800  }
0x59: {  	[tilespmem:s14], [sflag:$0x1] =	stream.indirect.gather @!p0 [hbm4b:s2+s13], $0x20, s24, s13, $0xb8;
	[tilespmem:$0x10800] =	vst v63  }
0x5a: {  	s14 =	sadd.s32 $0x400, s23  }
0x5b: {  	s19 =	rddreg [dreg:$0xa];
	s26 =	sshrl.u32 s14, $0xE  }
0x5c: {  	s19 =	sadd.s32 s3, s19;
	s15 =	sand.u32 $0x3, s26  }
0x5d: {  	s14 =	sand.u32 $0x3C00, s14;
	s26 =	sand.u32 $0x1FFC000, s19;
	p1 =	sgt.s32 s15, $0x1  }
0x5e: {  	s14 =	sor.u32 s14, s26;
	p2 =	seq.s32 @p1 s15, $0x2  }
0x5f: {  	s14 =	sshll.u32 s14, $0x4;
	p4 =	seq.s32 @!p1 s15, $0x0;
	p3 =	por p2, !p1  }
0x60: {  	s15 =	sadd.s32 @!p3 s14, s8;
	p3 =	por p4, p1  }
0x61: {  	p2 =	por !p2, !p1;
	s26 =	sadd.s32 @!p3 s14, s11;
	p3 =	por !p4, p1  }
0x62: {  	_ =	swait.ge [sflag:s5], $0x4000;
	s19 =	sadd.s32 @!p2 s14, s9;
	s14 =	sadd.s32 @!p3 s4, s14  }
0x63: {  	[sflag:s5] =	ssyncset.done $0x0;
	s19 =	smov.u32 @p2 s15;
	s14 =	smov.u32 @p3 s26  }
0x64: {  	[sflag:s5] =	ssyncadd.s32 $0xFFFFC000;
	s14 =	smov.u32 @p1 s19  }
0x65: {  	[hbm4b:s14+s1] =	stream.strided.scatter [tilespmem:s30], [sflag:$0x7], $0x4000, s0, s1, $0x38;
	[tilespmem:$0x10800] =	vst v63  }
0x66: {  	s14 =	simm.s32 @!p0 $0x400  }
0x67: {  	[tilespmem:s14], [sflag:$0xB] =	stream.linear.gather @!p0 [hbm4b:s17+s24], $0x200, $0x38;
	[tilespmem:$0x10800] =	vst v63  }
0x68: {  	s14 =	simm.s32 @!p0 $0x6  }
0x69: {  	_ =	swait.ge @!p0 [sflag:s14], $0x4000  }
0x6a: {  	[sflag:s14] =	ssyncset.done @!p0 $0x0  }
0x6b: {  	[sflag:s14] =	ssyncadd.s32 @!p0 $0xFFFFC000;
	s14 =	simm.s32 @!p0 $0xA  }
0x6c: {  	s22 =	sadd.s32 $0x600, s23;
	_ =	swait.ge @!p0 [sflag:s14], $0x200  }
0x6d: {  	s19 =	sshrl.u32 s22, $0xE;
	[sflag:s14] =	ssyncset.done @!p0 $0x0  }
0x6e: {  	s24 =	rddreg [dreg:$0xe];
	[sflag:s14] =	ssyncadd.s32 @!p0 $0xFFFFFE00;
	s14 =	simm.s32 @!p0 $0x4800  }
0x6f: {  	[tilespmem:s14], [sflag:$0x2] =	stream.indirect.gather @!p0 [hbm4b:s2+s13], $0x20, s13, s13, $0xb8;
	[tilespmem:$0x10800] =	vst v63  }
0x70: {  	s14 =	sadd.s32 s3, s24;
	s13 =	sand.u32 $0x3, s19  }
0x71: {  	s26 =	sand.u32 $0x3E00, s22;
	s14 =	sand.u32 $0x1FFC000, s14;
	p0 =	sgt.s32 s13, $0x1  }
0x72: {  	s14 =	sor.u32 s26, s14;
	p1 =	seq.s32 @p0 s13, $0x2;
	p3 =	seq.s32 @!p0 s13, $0x0  }
0x73: {  	s14 =	sshll.u32 s14, $0x4;
	p2 =	por !p1, !p0;
	p1 =	por p1, !p0  }
0x74: {  	s13 =	sadd.s32 @!p1 s14, s8;
	p1 =	por !p3, p0;
	p3 =	por p3, p0  }
0x75: {  	s15 =	sadd.s32 @!p2 s14, s9;
	s19 =	sadd.s32 @!p1 s4, s14;
	s14 =	sadd.s32 @!p3 s14, s11  }
0x76: {  	s3 =	sadd.s32 $0x200, s3;
	s15 =	smov.u32 @p2 s13;
	s19 =	smov.u32 @p1 s14  }
0x77: {  	s19 =	smov.u32 @p0 s15;
	p0 =	sne.s32 s3, $0x6400  }
.Ltmp0:
0x78: {  	_ = 	snop;
	(pc) =	sbr.rel @p0 .LBB2_2-.Ltmp0, $4  }
0x79: {  	s25 =	sadd.s32 $0x100, s25;
	_ =	swait.ge [sflag:s16], $0x4000  }
0x7a: {  	s20 =	sadd.s32 $0x100, s20;
	s18 =	sadd.s32 $0x100, s18;
	[sflag:s16] =	ssyncset.done $0x0  }
0x7b: {  	s23 =	sadd.s32 $0x800, s23;
	s17 =	sadd.s32 $0x100, s17;
	[sflag:s16] =	ssyncadd.s32 $0xFFFFC000  }
0x7c: {  	[hbm4b:s19+s1] =	stream.strided.scatter [tilespmem:s7], [sflag:$0x8], $0x4000, s0, s1, $0x38;
	[tilespmem:$0x10800] =	vst v63  }
0x7d: {  	s3 =	simm.s32 $0x5  }
0x7e: {  	_ =	swait.ge [sflag:s3], $0x4000  }
0x7f: {  	[sflag:s3] =	ssyncset.done $0x0  }
0x80: {  	s24 =	simm.s32 $0x6;
	[sflag:s3] =	ssyncadd.s32 $0xFFFFC000  }
0x81: {  	_ =	swait.ge [sflag:s24], $0x4000  }
0x82: {  	[sflag:s24] =	ssyncset.done $0x0  }
0x83: {  	s25 =	simm.s32 $0x7;
	[sflag:s24] =	ssyncadd.s32 $0xFFFFC000  }
0x84: {  	_ =	swait.ge [sflag:s25], $0x4000  }
0x85: {  	[sflag:s25] =	ssyncset.done $0x0  }
0x86: {  	[sflag:s25] =	ssyncadd.s32 $0xFFFFC000  }
0x87: {  	_ =	swait.ge [sflag:s10], $0x4000  }
0x88: {  	s13 =	rddreg [dreg:$0x10]  }
0x89: {  	s26 =	rddreg [dreg:$0x7];
	s13 =	sadd.s32 $0x1, s13  }
0x8a: {  	p0 =	sne.s32 s13, s26  }
.Ltmp1:
0x8b: {  	_ = 	snop;
	(pc) =	sbr.rel @p0 .LBB2_1-.Ltmp1, $3  }
0x8c: {  	_ =	sdelay $0x1  }
0x8d: {  	[sflag:s10] =	ssyncset.done $0x0  }
0x8e: {  	[sflag:s10] =	ssyncadd.s32 $0xFFFFC000  }
0x8f: {  	_ =	sfence.sel $0x180000  }
0x90: {  	[bflag:$0x0] =	sbarrier.arrive $0xFFFF  }
0x91: {  	_ =	strace $0x90000047  }
0x92: {  	s0 =	stileid.u32;
	[bflag:$0x2] =	sbarrier.arrive $0xFFFF  }
0x93: {  	p0 =	sne.s32 s0, $0x0;
	s0 =	rddreg [dreg:$0x2]  }
0x94: {  	s0 =	sadd.s32 @!p0 $0x100000, s0  }
0x95: {  	[sflag:s0] =	ssyncadd.tile.s32 @!p0 $0x1;
	_ =	shalt  }
.Lfunc_end2:
_tile_overlayer_lowered:
.L_overlay_start_2:
0x96: {  	(tag) =	ssettag $0x2  }
0x97: {  	s0 =	rddreg [dreg:$0x0];
	s2 =	stileid.u32  }
0x98: {  	s1 =	rddreg [dreg:$0x1];
	p0 =	sne.s32 s2, $0x0  }
0x99: {  	s3 =	rddreg [dreg:$0x2];
	[bflag:$0x3] =	sbarrier.arrive $0xFFFF;
	s2 =	simm.s32 @!p0 $0x1C0D  }
0x9a: {  	[timem:s3], [sflag:s2] =	dma.local @!p0 [hbm:s0], s1  }
0x9b: {  	s0 =	simm.s32 @!p0 $0xD  }
0x9c: {  	_ =	swait.ge @!p0 [sflag:s0], s1  }
0x9d: {  	s1 =	ssub.s32 @!p0 $0x0, s1;
	[sflag:s0] =	ssyncset.done @!p0 $0x0  }
0x9e: {  	[sflag:s0] =	ssyncadd.s32 @!p0 s1  }
0x9f: {  	[bflag:$0x3] =	sbarrier.arrive $0xFFFF  }
0xa0: {  	_ =	shalt  }

</sc_bundles>
